<compile_context>
chip_gen: v7x
topology: tpu7x:2x2x1
jax: 0.10.2.dev20260603
libtpu: 0.0.44.dev20260713+nightly
codegen_flags: <defaults>
</compile_context>

<pallas_src>
import functools

import jax
import jax.numpy as jnp
from jax import lax
from jax.experimental import pallas as pl
from jax.experimental.pallas import tpu as pltpu
from jax.experimental.pallas import tpu_sc as plsc

NE = 16
H = 768
EI = 192
T = 2048
TILE = 256
PADDED = 6144
NT = PADDED // TILE
NTE = 32

NC, NS, L = 2, 16, 16
NW = NC * NS
TPW = T // NW
CHUNKS = TPW // L

_mesh = plsc.VectorSubcoreMesh(
    core_axis_name="c", subcore_axis_name="s", num_cores=NC, num_subcores=NS)


def _wid():
    return lax.axis_index("s") * NC + lax.axis_index("c")


def _iota():
    return lax.iota(jnp.int32, L)


def _vsum(v):
    return plsc.cumsum(v)[L - 1]


@functools.partial(
    pl.kernel,
    out_type=(
        jax.ShapeDtypeStruct((T,), jnp.int32),
        jax.ShapeDtypeStruct((NW, NE), jnp.int32),
    ),
    mesh=_mesh,
    compiler_params=pltpu.CompilerParams(needs_layout_passes=False),
    scratch_types=[
        pltpu.VMEM((TPW,), jnp.int32),
        pltpu.VMEM((TPW,), jnp.int32),
        pltpu.VMEM((NE,), jnp.int32),
        pltpu.SemaphoreType.DMA,
    ],
)
def _route1(tok_hbm, t2e_hbm, eid_hbm, hist_hbm, tok_v, eid_v, hist_v, sem):
    w = _wid()
    base = w * TPW
    pltpu.sync_copy(tok_hbm.at[pl.ds(base, TPW)], tok_v)
    vocab = t2e_hbm.shape[0]
    for k in range(CHUNKS):
        t = tok_v[pl.ds(k * L, L)]
        tok_v[pl.ds(k * L, L)] = jnp.clip(t, 0, vocab - 1)
    pltpu.async_copy(t2e_hbm.at[tok_v], eid_v, sem).wait()
    pltpu.sync_copy(eid_v, eid_hbm.at[pl.ds(base, TPW)])
    chunks = [eid_v[pl.ds(k * L, L)] for k in range(CHUNKS)]
    iota = _iota()

    def _he(e, hvec):
        acc = jnp.zeros((L,), jnp.int32)
        for ch in chunks:
            acc = acc + jnp.where(ch == e, 1, 0)
        return jnp.where(iota == e, _vsum(acc), hvec)

    hist_v[...] = lax.fori_loop(0, NE, _he, jnp.zeros((L,), jnp.int32))
    pltpu.sync_copy(hist_v, hist_hbm.at[w])


@functools.partial(
    pl.kernel,
    out_type=(
        jax.ShapeDtypeStruct((PADDED, H), jnp.float32),
        jax.ShapeDtypeStruct((T,), jnp.int32),
        jax.ShapeDtypeStruct((NTE,), jnp.int32),
        jax.ShapeDtypeStruct((NTE,), jnp.int32),
        jax.ShapeDtypeStruct((NTE,), jnp.int32),
    ),
    mesh=_mesh,
    compiler_params=pltpu.CompilerParams(needs_layout_passes=False),
    scratch_types=[
        pltpu.VMEM((TPW,), jnp.int32),
        pltpu.VMEM((NW, NE), jnp.int32),
        pltpu.VMEM((TPW,), jnp.int32),
        pltpu.VMEM((NTE,), jnp.int32),
        pltpu.VMEM((NTE,), jnp.int32),
        pltpu.VMEM((NTE,), jnp.int32),
        pltpu.VMEM((TPW, H), jnp.float32),
        pltpu.SemaphoreType.DMA,
    ],
)
def _route2(eid_hbm, hist_hbm, x_hbm, xpad_hbm, slot_hbm, te_hbm, xi_hbm,
            oi_hbm, eid_v, hist_v, slot_v, te_v, xi_v, oi_v, rows_v, sem):
    w = _wid()
    base = w * TPW
    pltpu.sync_copy(eid_hbm.at[pl.ds(base, TPW)], eid_v)
    pltpu.sync_copy(hist_hbm, hist_v)
    iota = _iota()

    def _re(e, carry):
        counts_v, prior_v = carry
        esp = jnp.zeros((L,), jnp.int32) + e
        v0 = plsc.load_gather(hist_v, [iota, esp])
        v1 = plsc.load_gather(hist_v, [iota + L, esp])
        cnt = _vsum(v0) + _vsum(v1)
        pr = (_vsum(jnp.where(iota < w, v0, 0))
              + _vsum(jnp.where(iota + L < w, v1, 0)))
        return (jnp.where(iota == e, cnt, counts_v),
                jnp.where(iota == e, pr, prior_v))

    counts_v, prior_v = lax.fori_loop(
        0, NE, _re, (jnp.zeros((L,), jnp.int32), jnp.zeros((L,), jnp.int32)))

    pad_v = (counts_v + (TILE - 1)) & ~jnp.int32(TILE - 1)
    incl = plsc.cumsum(pad_v)
    base_v = incl - pad_v
    comb_v = base_v + prior_v

    chunks = [eid_v[pl.ds(k * L, L)] for k in range(CHUNKS)]
    run_v = jnp.zeros((L,), jnp.int32)
    for k, ch in enumerate(chunks):
        combg = comb_v.at[ch].get(mode="promise_in_bounds")
        rung = run_v.at[ch].get(mode="promise_in_bounds")
        def _rk(e, carry):
            rank, run = carry
            mi = jnp.where(ch == e, 1, 0)
            cs = plsc.cumsum(mi)
            return (rank + mi * (cs - mi),
                    run + jnp.where(iota == e, cs[L - 1], 0))

        rank, run_v = lax.fori_loop(
            0, NE, _rk, (jnp.zeros((L,), jnp.int32), run_v))
        slot_v[pl.ds(k * L, L)] = combg + rung + rank
    pltpu.sync_copy(slot_v, slot_hbm.at[pl.ds(base, TPW)])

    pltpu.sync_copy(x_hbm.at[pl.ds(base, TPW)], rows_v)
    pltpu.async_copy(rows_v, xpad_hbm.at[slot_v], sem).wait()

    @pl.when(w == 0)
    def _():
        nact = incl[NE - 1] // TILE
        for j in range(NTE // L):
            jv = iota + j * L
            jvec = jv * TILE
            acc = jnp.zeros((L,), jnp.int32)
            for e in range(NE):
                acc = acc + jnp.where(incl[e] <= jvec, 1, 0)
            te_v[pl.ds(j * L, L)] = jnp.minimum(acc, NE - 1)
            active = jv < nact
            xi_v[pl.ds(j * L, L)] = jnp.where(active, jv, 0)
            oi_v[pl.ds(j * L, L)] = jnp.where(active, jv, NT - 1)
        pltpu.sync_copy(te_v, te_hbm)
        pltpu.sync_copy(xi_v, xi_hbm)
        pltpu.sync_copy(oi_v, oi_hbm)


def _mlp_body(te_ref, xi_ref, oi_ref, x_ref, wg_ref, wu_ref, wd_ref, o_ref):
    i = pl.program_id(0)
    e = te_ref[i]

    @pl.when((oi_ref[i] != NT - 1) | (i == 0))
    def _():
        _mlp_tile(x_ref, wg_ref, wu_ref, wd_ref, o_ref)


def _mlp_tile(x_ref, wg_ref, wu_ref, wd_ref, o_ref):
    x = x_ref[...].astype(jnp.bfloat16)
    g = jax.lax.dot_general(x, wg_ref[0], (((1,), (1,)), ((), ())),
                            preferred_element_type=jnp.float32)
    u = jax.lax.dot_general(x, wu_ref[0], (((1,), (1,)), ((), ())),
                            preferred_element_type=jnp.float32)
    h = g * jax.lax.logistic(g) * u
    o_ref[...] = jax.lax.dot_general(h.astype(jnp.bfloat16), wd_ref[0],
                                     (((1,), (0,)), ((), ())),
                                     preferred_element_type=jnp.float32)


def _grouped_mlp(te, xi, oi, x_pad, gate, up, down):
    return pl.pallas_call(
        _mlp_body,
        grid_spec=pltpu.PrefetchScalarGridSpec(
            num_scalar_prefetch=3,
            grid=(NT,),
            in_specs=[
                pl.BlockSpec((TILE, H), lambda i, te, xi, oi: (xi[i], 0)),
                pl.BlockSpec((1, EI, H), lambda i, te, xi, oi: (te[i], 0, 0)),
                pl.BlockSpec((1, EI, H), lambda i, te, xi, oi: (te[i], 0, 0)),
                pl.BlockSpec((1, EI, H), lambda i, te, xi, oi: (te[i], 0, 0)),
            ],
            out_specs=pl.BlockSpec((TILE, H), lambda i, te, xi, oi: (oi[i], 0)),
        ),
        out_shape=jax.ShapeDtypeStruct((PADDED, H), jnp.float32),
        compiler_params=pltpu.CompilerParams(
            vmem_limit_bytes=100 * 1024 * 1024),
    )(te, xi, oi, x_pad, gate, up, down)


@functools.partial(
    pl.kernel,
    out_type=jax.ShapeDtypeStruct((T, H), jnp.float32),
    mesh=_mesh,
    compiler_params=pltpu.CompilerParams(needs_layout_passes=False),
    scratch_types=[
        pltpu.VMEM((TPW,), jnp.int32),
        pltpu.VMEM((TPW, H), jnp.float32),
        pltpu.SemaphoreType.DMA,
    ],
)
def _unsort(slot_hbm, opad_hbm, out_hbm, idx_v, rows_v, sem):
    w = _wid()
    base = w * TPW
    pltpu.sync_copy(slot_hbm.at[pl.ds(base, TPW)], idx_v)
    pltpu.async_copy(opad_hbm.at[idx_v], rows_v, sem).wait()
    pltpu.sync_copy(rows_v, out_hbm.at[pl.ds(base, TPW)])


def kernel(hidden_states, token_ids, token_to_expert, gate_proj, up_proj,
           down_proj):
    Bq, Sq, Hq = hidden_states.shape
    x2d = hidden_states.reshape(T, H)
    tok = token_ids.reshape(T)
    eids, hist = _route1(tok, token_to_expert)
    x_pad, slot, te, xi, oi = _route2(eids, hist, x2d)
    o_pad = _grouped_mlp(te, xi, oi, x_pad,
                         gate_proj.swapaxes(1, 2).astype(jnp.bfloat16),
                         up_proj.swapaxes(1, 2).astype(jnp.bfloat16),
                         down_proj.astype(jnp.bfloat16))
    out = _unsort(slot, o_pad)
    return out.reshape(Bq, Sq, Hq)

# --- scband reference (transcript-rebuilt; emitter-appended) ---
"""Pipeline reference for scband-token-routed-mlptriton-18047452578003 (READ-ONLY COPY).

The authoritative reference and input builder live on the scoring server;
editing this copy changes nothing except your own understanding.
"""

import jax, jax.numpy as jnp
import numpy as np

NUM_EXPERTS = 16
HIDDEN = 768
INTERMEDIATE = 3072
EXP_INTER = INTERMEDIATE // NUM_EXPERTS
VOCAB = 100000
B, S = 1, 2048


def setup_inputs(seed: int = 0) -> dict:
    key = jax.random.key(seed)
    k1, k2, k3, k4, k5 = jax.random.split(key, 5)
    hidden_states = jax.random.normal(k1, (B, S, HIDDEN), dtype=jnp.float32)
    token_ids = jax.random.randint(k2, (B, S), 0, VOCAB, dtype=jnp.int32)
    # deterministic token->expert mapping (modulo, no frequencies provided)
    token_to_expert = (jnp.arange(VOCAB, dtype=jnp.int32) % NUM_EXPERTS).astype(jnp.int32)
    gate_proj = jax.random.normal(k3, (NUM_EXPERTS, HIDDEN, EXP_INTER), dtype=jnp.float32) * 0.02
    up_proj = jax.random.normal(k4, (NUM_EXPERTS, HIDDEN, EXP_INTER), dtype=jnp.float32) * 0.02
    down_proj = jax.random.normal(k5, (NUM_EXPERTS, EXP_INTER, HIDDEN), dtype=jnp.float32) * 0.02
    return {
        "hidden_states": hidden_states,
        "token_ids": token_ids,
        "token_to_expert": token_to_expert,
        "gate_proj": gate_proj,
        "up_proj": up_proj,
        "down_proj": down_proj,
    }


def reference(hidden_states, token_ids, token_to_expert, gate_proj, up_proj, down_proj):
    Bq, Sq, H = hidden_states.shape
    tid = jnp.clip(token_ids, 0, VOCAB - 1)
    expert_ids = jnp.take(token_to_expert, tid.reshape(-1), axis=0)  # [T]
    x = hidden_states.reshape(-1, H)  # [T, H]
    out = jnp.zeros_like(x)
    # grouped expert MLP: each token processed by exactly its expert's SwiGLU MLP
    # (mathematically identical to torch bmm/cggr paths)
    for e in range(NUM_EXPERTS):
        mask = (expert_ids == e).astype(x.dtype)[:, None]
        g = x @ gate_proj[e]
        u = x @ up_proj[e]
        inter = jax.nn.silu(g) * u
        out = out + mask * (inter @ down_proj[e])
    return out.reshape(Bq, Sq, H)

if __name__ == "__main__":
    import jax
    _d = setup_inputs()
    print(jax.jit(kernel)(*tuple(_d.values())))

</pallas_src>

<mosaic_0001>
#map = affine_map<(d0, d1) -> (0)>
#map1 = affine_map<(d0, d1) -> (0, 0)>
module attributes {stable_mosaic.version = 14 : i64} {
  func.func @_unsort(%arg0: i32, %arg1: i32, %arg2: memref<2048xi32, #tpu.memory_space<hbm>>, %arg3: memref<6144x768xf32, #tpu.memory_space<hbm>>, %arg4: memref<2048x768xf32, #tpu.memory_space<hbm>>, %arg5: memref<64xi32, #tpu.memory_space<vmem>>, %arg6: memref<64x768xf32, #tpu.memory_space<vmem>>, %arg7: memref<!tpu.dma_semaphore, #tpu.memory_space<semaphore_mem>>) attributes {dimension_semantics = [#tpu.dimension_semantics<core_parallel>, #tpu.dimension_semantics<subcore_parallel>], iteration_bounds = array<i64: 2, 16>, scalar_prefetch = 0 : i64, scratch_operands = 3 : i64, tpu.core_type = #tpu.core_type<sc_vector_subcore>, window_params = [{transform_indices = #map}, {transform_indices = #map1}, {transform_indices = #map1}]} {
    %mul3A = arith.constant 2 : i32
    %mul3A_0 = arith.muli %arg1, %mul3A : i32
    %add3A = arith.addi %mul3A_0, %arg0 : i32
    %mul3A_1 = arith.constant 64 : i32
    %mul3A_2 = arith.muli %add3A, %mul3A_1 : i32
    "tpu.region"() ({
      %run_scoped3A = tpu.sem_alloc : memref<!tpu.dma_semaphore, #tpu.memory_space<semaphore_mem>>
      %dma_start3A_7 = tpu.memref_slice %arg2[%mul3A_2] : memref<2048xi32, #tpu.memory_space<hbm>> -> memref<64xi32, #tpu.memory_space<hbm>>
      %dma_start3A_8 = tpu.memref_slice %arg2[%mul3A_2] : memref<2048xi32, #tpu.memory_space<hbm>> -> memref<64xi32, #tpu.memory_space<hbm>>
      tpu.enqueue_dma source(%dma_start3A_8 : memref<64xi32, #tpu.memory_space<hbm>>) target(%arg5 : memref<64xi32, #tpu.memory_space<vmem>>) target_semaphore(%run_scoped3A : memref<!tpu.dma_semaphore, #tpu.memory_space<semaphore_mem>>)
      %dma_wait3A_9 = tpu.memref_slice %arg2[%mul3A_2] : memref<2048xi32, #tpu.memory_space<hbm>> -> memref<64xi32, #tpu.memory_space<hbm>>
      %dma_wait3A_10 = tpu.memref_slice %arg2[%mul3A_2] : memref<2048xi32, #tpu.memory_space<hbm>> -> memref<64xi32, #tpu.memory_space<hbm>>
      tpu.wait_dma2 semaphore(%run_scoped3A : memref<!tpu.dma_semaphore, #tpu.memory_space<semaphore_mem>>) src(%dma_wait3A_10 : memref<64xi32, #tpu.memory_space<hbm>>) dst(%arg5 : memref<64xi32, #tpu.memory_space<vmem>>)
      tpu.yield
    }) : () -> ()
    %dma_start3A = arith.constant 0 : i32
    %dma_start3A_3 = arith.constant 0 : i32
    %dma_start3A_4 = tpu.memref_slice %arg3[%dma_start3A, %dma_start3A_3] : memref<6144x768xf32, #tpu.memory_space<hbm>> -> memref<6144x768xf32, #tpu.memory_space<hbm>>
    tpu.enqueue_indirect_dma source(%dma_start3A_4 : memref<6144x768xf32, #tpu.memory_space<hbm>>) target(%arg6 : memref<64x768xf32, #tpu.memory_space<vmem>>) offsets(%arg5 : memref<64xi32, #tpu.memory_space<vmem>>) semaphore(%arg7 : memref<!tpu.dma_semaphore, #tpu.memory_space<semaphore_mem>>)
    %dma_wait3A = arith.constant 0 : i32
    %dma_wait3A_5 = arith.constant 0 : i32
    %dma_wait3A_6 = tpu.memref_slice %arg3[%dma_wait3A, %dma_wait3A_5] : memref<6144x768xf32, #tpu.memory_space<hbm>> -> memref<6144x768xf32, #tpu.memory_space<hbm>>
    tpu.wait_indirect_dma semaphore(%arg7 : memref<!tpu.dma_semaphore, #tpu.memory_space<semaphore_mem>>) src(%dma_wait3A_6 : memref<6144x768xf32, #tpu.memory_space<hbm>>) dst(%arg6 : memref<64x768xf32, #tpu.memory_space<vmem>>)
    "tpu.region"() ({
      %run_scoped3A = tpu.sem_alloc : memref<!tpu.dma_semaphore, #tpu.memory_space<semaphore_mem>>
      %dma_start3A_7 = arith.constant 0 : i32
      %dma_start3A_8 = tpu.memref_slice %arg4[%mul3A_2, %dma_start3A_7] : memref<2048x768xf32, #tpu.memory_space<hbm>> -> memref<64x768xf32, #tpu.memory_space<hbm>>
      %dma_start3A_9 = arith.constant 0 : i32
      %dma_start3A_10 = tpu.memref_slice %arg4[%mul3A_2, %dma_start3A_9] : memref<2048x768xf32, #tpu.memory_space<hbm>> -> memref<64x768xf32, #tpu.memory_space<hbm>>
      tpu.enqueue_dma source(%arg6 : memref<64x768xf32, #tpu.memory_space<vmem>>) target(%dma_start3A_10 : memref<64x768xf32, #tpu.memory_space<hbm>>) target_semaphore(%run_scoped3A : memref<!tpu.dma_semaphore, #tpu.memory_space<semaphore_mem>>)
      %dma_wait3A_11 = arith.constant 0 : i32
      %dma_wait3A_12 = tpu.memref_slice %arg4[%mul3A_2, %dma_wait3A_11] : memref<2048x768xf32, #tpu.memory_space<hbm>> -> memref<64x768xf32, #tpu.memory_space<hbm>>
      %dma_wait3A_13 = arith.constant 0 : i32
      %dma_wait3A_14 = tpu.memref_slice %arg4[%mul3A_2, %dma_wait3A_13] : memref<2048x768xf32, #tpu.memory_space<hbm>> -> memref<64x768xf32, #tpu.memory_space<hbm>>
      tpu.wait_dma2 semaphore(%run_scoped3A : memref<!tpu.dma_semaphore, #tpu.memory_space<semaphore_mem>>) src(%arg6 : memref<64x768xf32, #tpu.memory_space<vmem>>) dst(%dma_wait3A_14 : memref<64x768xf32, #tpu.memory_space<hbm>>)
      tpu.yield
    }) : () -> ()
    return
  }
}

#map = affine_map<(d0, d1) -> (0)>
#map1 = affine_map<(d0, d1) -> (0, 0)>
module attributes {stable_mosaic.version = 14 : i64} {
  func.func @_route1(%arg0: i32, %arg1: i32, %arg2: memref<2048xi32, #tpu.memory_space<hbm>>, %arg3: memref<100000xi32, #tpu.memory_space<hbm>>, %arg4: memref<2048xi32, #tpu.memory_space<hbm>>, %arg5: memref<32x16xi32, #tpu.memory_space<hbm>>, %arg6: memref<64xi32, #tpu.memory_space<vmem>>, %arg7: memref<64xi32, #tpu.memory_space<vmem>>, %arg8: memref<16xi32, #tpu.memory_space<vmem>>, %arg9: memref<!tpu.dma_semaphore, #tpu.memory_space<semaphore_mem>>) attributes {dimension_semantics = [#tpu.dimension_semantics<core_parallel>, #tpu.dimension_semantics<subcore_parallel>], iteration_bounds = array<i64: 2, 16>, scalar_prefetch = 0 : i64, scratch_operands = 4 : i64, tpu.core_type = #tpu.core_type<sc_vector_subcore>, window_params = [{transform_indices = #map}, {transform_indices = #map}, {transform_indices = #map}, {transform_indices = #map1}]} {
    %mul3A = arith.constant 2 : i32
    %mul3A_0 = arith.muli %arg1, %mul3A : i32
    %add3A = arith.addi %mul3A_0, %arg0 : i32
    %mul3A_1 = arith.constant 64 : i32
    %mul3A_2 = arith.muli %add3A, %mul3A_1 : i32
    "tpu.region"() ({
      %run_scoped3A = tpu.sem_alloc : memref<!tpu.dma_semaphore, #tpu.memory_space<semaphore_mem>>
      %dma_start3A_56 = tpu.memref_slice %arg2[%mul3A_2] : memref<2048xi32, #tpu.memory_space<hbm>> -> memref<64xi32, #tpu.memory_space<hbm>>
      %dma_start3A_57 = tpu.memref_slice %arg2[%mul3A_2] : memref<2048xi32, #tpu.memory_space<hbm>> -> memref<64xi32, #tpu.memory_space<hbm>>
      tpu.enqueue_dma source(%dma_start3A_57 : memref<64xi32, #tpu.memory_space<hbm>>) target(%arg6 : memref<64xi32, #tpu.memory_space<vmem>>) target_semaphore(%run_scoped3A : memref<!tpu.dma_semaphore, #tpu.memory_space<semaphore_mem>>)
      %dma_wait3A_58 = tpu.memref_slice %arg2[%mul3A_2] : memref<2048xi32, #tpu.memory_space<hbm>> -> memref<64xi32, #tpu.memory_space<hbm>>
      %dma_wait3A_59 = tpu.memref_slice %arg2[%mul3A_2] : memref<2048xi32, #tpu.memory_space<hbm>> -> memref<64xi32, #tpu.memory_space<hbm>>
      tpu.wait_dma2 semaphore(%run_scoped3A : memref<!tpu.dma_semaphore, #tpu.memory_space<semaphore_mem>>) src(%dma_wait3A_59 : memref<64xi32, #tpu.memory_space<hbm>>) dst(%arg6 : memref<64xi32, #tpu.memory_space<vmem>>)
      tpu.yield
    }) : () -> ()
    %get3A = arith.constant 0 : index
    %get3A_3 = tpu.vector_load %arg6[%get3A] {strides = array<i32>} : memref<64xi32, #tpu.memory_space<vmem>>, vector<16xi32>,
    %jit3A = arith.constant 0 : i32
    %jit3A_4 = arith.constant 99999 : i32
    %max3A = vector.broadcast %jit3A : i32 to vector<16xi32>
    %max3A_5 = arith.maxsi %max3A, %get3A_3 : vector<16xi32>
    %min3A = vector.broadcast %jit3A_4 : i32 to vector<16xi32>
    %min3A_6 = arith.minsi %min3A, %max3A_5 : vector<16xi32>
    %swap3A = arith.constant 0 : index
    %swap3A_7 = tpu.vector_load %arg6[%swap3A] {strides = array<i32>} : memref<64xi32, #tpu.memory_space<vmem>>, vector<16xi32>,
    tpu.vector_store %arg6[%swap3A], %min3A_6 {strides = array<i32>} : memref<64xi32, #tpu.memory_space<vmem>>, vector<16xi32>,
    %get3A_8 = arith.constant 16 : index
    %get3A_9 = tpu.vector_load %arg6[%get3A_8] {strides = array<i32>} : memref<64xi32, #tpu.memory_space<vmem>>, vector<16xi32>,
    %jit3A_10 = arith.constant 0 : i32
    %jit3A_11 = arith.constant 99999 : i32
    %max3A_12 = vector.broadcast %jit3A_10 : i32 to vector<16xi32>
    %max3A_13 = arith.maxsi %max3A_12, %get3A_9 : vector<16xi32>
    %min3A_14 = vector.broadcast %jit3A_11 : i32 to vector<16xi32>
    %min3A_15 = arith.minsi %min3A_14, %max3A_13 : vector<16xi32>
    %swap3A_16 = arith.constant 16 : index
    %swap3A_17 = tpu.vector_load %arg6[%swap3A_16] {strides = array<i32>} : memref<64xi32, #tpu.memory_space<vmem>>, vector<16xi32>,
    tpu.vector_store %arg6[%swap3A_16], %min3A_15 {strides = array<i32>} : memref<64xi32, #tpu.memory_space<vmem>>, vector<16xi32>,
    %get3A_18 = arith.constant 32 : index
    %get3A_19 = tpu.vector_load %arg6[%get3A_18] {strides = array<i32>} : memref<64xi32, #tpu.memory_space<vmem>>, vector<16xi32>,
    %jit3A_20 = arith.constant 0 : i32
    %jit3A_21 = arith.constant 99999 : i32
    %max3A_22 = vector.broadcast %jit3A_20 : i32 to vector<16xi32>
    %max3A_23 = arith.maxsi %max3A_22, %get3A_19 : vector<16xi32>
    %min3A_24 = vector.broadcast %jit3A_21 : i32 to vector<16xi32>
    %min3A_25 = arith.minsi %min3A_24, %max3A_23 : vector<16xi32>
    %swap3A_26 = arith.constant 32 : index
    %swap3A_27 = tpu.vector_load %arg6[%swap3A_26] {strides = array<i32>} : memref<64xi32, #tpu.memory_space<vmem>>, vector<16xi32>,
    tpu.vector_store %arg6[%swap3A_26], %min3A_25 {strides = array<i32>} : memref<64xi32, #tpu.memory_space<vmem>>, vector<16xi32>,
    %get3A_28 = arith.constant 48 : index
    %get3A_29 = tpu.vector_load %arg6[%get3A_28] {strides = array<i32>} : memref<64xi32, #tpu.memory_space<vmem>>, vector<16xi32>,
    %jit3A_30 = arith.constant 0 : i32
    %jit3A_31 = arith.constant 99999 : i32
    %max3A_32 = vector.broadcast %jit3A_30 : i32 to vector<16xi32>
    %max3A_33 = arith.maxsi %max3A_32, %get3A_29 : vector<16xi32>
    %min3A_34 = vector.broadcast %jit3A_31 : i32 to vector<16xi32>
    %min3A_35 = arith.minsi %min3A_34, %max3A_33 : vector<16xi32>
    %swap3A_36 = arith.constant 48 : index
    %swap3A_37 = tpu.vector_load %arg6[%swap3A_36] {strides = array<i32>} : memref<64xi32, #tpu.memory_space<vmem>>, vector<16xi32>,
    tpu.vector_store %arg6[%swap3A_36], %min3A_35 {strides = array<i32>} : memref<64xi32, #tpu.memory_space<vmem>>, vector<16xi32>,
    %dma_start3A = arith.constant 0 : i32
    %dma_start3A_38 = tpu.memref_slice %arg3[%dma_start3A] : memref<100000xi32, #tpu.memory_space<hbm>> -> memref<100000xi32, #tpu.memory_space<hbm>>
    tpu.enqueue_indirect_dma source(%dma_start3A_38 : memref<100000xi32, #tpu.memory_space<hbm>>) target(%arg7 : memref<64xi32, #tpu.memory_space<vmem>>) offsets(%arg6 : memref<64xi32, #tpu.memory_space<vmem>>) semaphore(%arg9 : memref<!tpu.dma_semaphore, #tpu.memory_space<semaphore_mem>>)
    %dma_wait3A = arith.constant 0 : i32
    %dma_wait3A_39 = tpu.memref_slice %arg3[%dma_wait3A] : memref<100000xi32, #tpu.memory_space<hbm>> -> memref<100000xi32, #tpu.memory_space<hbm>>
    tpu.wait_indirect_dma semaphore(%arg9 : memref<!tpu.dma_semaphore, #tpu.memory_space<semaphore_mem>>) src(%dma_wait3A_39 : memref<100000xi32, #tpu.memory_space<hbm>>) dst(%arg7 : memref<64xi32, #tpu.memory_space<vmem>>)
    "tpu.region"() ({
      %run_scoped3A = tpu.sem_alloc : memref<!tpu.dma_semaphore, #tpu.memory_space<semaphore_mem>>
      %dma_start3A_56 = tpu.memref_slice %arg4[%mul3A_2] : memref<2048xi32, #tpu.memory_space<hbm>> -> memref<64xi32, #tpu.memory_space<hbm>>
      %dma_start3A_57 = tpu.memref_slice %arg4[%mul3A_2] : memref<2048xi32, #tpu.memory_space<hbm>> -> memref<64xi32, #tpu.memory_space<hbm>>
      tpu.enqueue_dma source(%arg7 : memref<64xi32, #tpu.memory_space<vmem>>) target(%dma_start3A_57 : memref<64xi32, #tpu.memory_space<hbm>>) target_semaphore(%run_scoped3A : memref<!tpu.dma_semaphore, #tpu.memory_space<semaphore_mem>>)
      %dma_wait3A_58 = tpu.memref_slice %arg4[%mul3A_2] : memref<2048xi32, #tpu.memory_space<hbm>> -> memref<64xi32, #tpu.memory_space<hbm>>
      %dma_wait3A_59 = tpu.memref_slice %arg4[%mul3A_2] : memref<2048xi32, #tpu.memory_space<hbm>> -> memref<64xi32, #tpu.memory_space<hbm>>
      tpu.wait_dma2 semaphore(%run_scoped3A : memref<!tpu.dma_semaphore, #tpu.memory_space<semaphore_mem>>) src(%arg7 : memref<64xi32, #tpu.memory_space<vmem>>) dst(%dma_wait3A_59 : memref<64xi32, #tpu.memory_space<hbm>>)
      tpu.yield
    }) : () -> ()
    %get3A_40 = arith.constant 0 : index
    %get3A_41 = tpu.vector_load %arg7[%get3A_40] {strides = array<i32>} : memref<64xi32, #tpu.memory_space<vmem>>, vector<16xi32>,
    %get3A_42 = arith.constant 16 : index
    %get3A_43 = tpu.vector_load %arg7[%get3A_42] {strides = array<i32>} : memref<64xi32, #tpu.memory_space<vmem>>, vector<16xi32>,
    %get3A_44 = arith.constant 32 : index
    %get3A_45 = tpu.vector_load %arg7[%get3A_44] {strides = array<i32>} : memref<64xi32, #tpu.memory_space<vmem>>, vector<16xi32>,
    %get3A_46 = arith.constant 48 : index
    %get3A_47 = tpu.vector_load %arg7[%get3A_46] {strides = array<i32>} : memref<64xi32, #tpu.memory_space<vmem>>, vector<16xi32>,
    %iota3A = tpu.iota {dimensions = array<i32: 0>} : vector<16xi32>
    %broadcast_in_dim3A = arith.constant 0 : i32
    %broadcast_in_dim3A_48 = vector.broadcast %broadcast_in_dim3A : i32 to vector<16xi32>
    %scan3A = arith.constant 0 : i32
    %scan3A_49 = arith.constant 16 : i32
    %scan3A_50 = arith.addi %scan3A, %scan3A_49 : i32
    %scan3A_51 = arith.constant 1 : i32
    %scan3A_52 = scf.for %scan3A_56 = %scan3A to %scan3A_50 step %scan3A_51 iter_args(%scan3A_57 = %broadcast_in_dim3A_48) -> (vector<16xi32>)  : i32 {
      %broadcast_in_dim3A_58 = arith.constant 0 : i32
      %broadcast_in_dim3A_59 = vector.broadcast %broadcast_in_dim3A_58 : i32 to vector<16xi32>
      %eq3A = vector.broadcast %scan3A_56 : i32 to vector<16xi32>
      %eq3A_60 = arith.cmpi eq, %get3A_41, %eq3A : vector<16xi32>
      %jit3A_61 = arith.constant 1 : i32
      %jit3A_62 = arith.constant 0 : i32
      %broadcast_in_dim3A_63 = vector.broadcast %jit3A_61 : i32 to vector<16xi32>
      %broadcast_in_dim3A_64 = vector.broadcast %jit3A_62 : i32 to vector<16xi32>
      %select_n3A = arith.select %eq3A_60, %broadcast_in_dim3A_63, %broadcast_in_dim3A_64 : vector<16xi1>, vector<16xi32>
      %add3A_65 = arith.addi %broadcast_in_dim3A_59, %select_n3A : vector<16xi32>
      %eq3A_66 = vector.broadcast %scan3A_56 : i32 to vector<16xi32>
      %eq3A_67 = arith.cmpi eq, %get3A_43, %eq3A_66 : vector<16xi32>
      %jit3A_68 = arith.constant 1 : i32
      %jit3A_69 = arith.constant 0 : i32
      %broadcast_in_dim3A_70 = vector.broadcast %jit3A_68 : i32 to vector<16xi32>
      %broadcast_in_dim3A_71 = vector.broadcast %jit3A_69 : i32 to vector<16xi32>
      %select_n3A_72 = arith.select %eq3A_67, %broadcast_in_dim3A_70, %broadcast_in_dim3A_71 : vector<16xi1>, vector<16xi32>
      %add3A_73 = arith.addi %add3A_65, %select_n3A_72 : vector<16xi32>
      %eq3A_74 = vector.broadcast %scan3A_56 : i32 to vector<16xi32>
      %eq3A_75 = arith.cmpi eq, %get3A_45, %eq3A_74 : vector<16xi32>
      %jit3A_76 = arith.constant 1 : i32
      %jit3A_77 = arith.constant 0 : i32
      %broadcast_in_dim3A_78 = vector.broadcast %jit3A_76 : i32 to vector<16xi32>
      %broadcast_in_dim3A_79 = vector.broadcast %jit3A_77 : i32 to vector<16xi32>
      %select_n3A_80 = arith.select %eq3A_75, %broadcast_in_dim3A_78, %broadcast_in_dim3A_79 : vector<16xi1>, vector<16xi32>
      %add3A_81 = arith.addi %add3A_73, %select_n3A_80 : vector<16xi32>
      %eq3A_82 = vector.broadcast %scan3A_56 : i32 to vector<16xi32>
      %eq3A_83 = arith.cmpi eq, %get3A_47, %eq3A_82 : vector<16xi32>
      %jit3A_84 = arith.constant 1 : i32
      %jit3A_85 = arith.constant 0 : i32
      %broadcast_in_dim3A_86 = vector.broadcast %jit3A_84 : i32 to vector<16xi32>
      %broadcast_in_dim3A_87 = vector.broadcast %jit3A_85 : i32 to vector<16xi32>
      %select_n3A_88 = arith.select %eq3A_83, %broadcast_in_dim3A_86, %broadcast_in_dim3A_87 : vector<16xi1>, vector<16xi32>
      %add3A_89 = arith.addi %add3A_81, %select_n3A_88 : vector<16xi32>
      %eq3A_90 = vector.broadcast %scan3A_56 : i32 to vector<16xi32>
      %eq3A_91 = arith.cmpi eq, %iota3A, %eq3A_90 : vector<16xi32>
      %broadcast_in_dim3A_92 = arith.constant true
      %broadcast_in_dim3A_93 = vector.broadcast %broadcast_in_dim3A_92 : i1 to vector<16xi1>
      %masked_cumsum3A = tpu.scan <sum>, %add3A_89 masked %broadcast_in_dim3A_93 : vector<16xi32>, vector<16xi1> -> vector<16xi32>
      %slice3A = vector.extract_strided_slice %masked_cumsum3A {offsets = [15], sizes = [1], strides = [1]} : vector<16xi32> to vector<1xi32>
      %squeeze3A = vector.extract %slice3A[0] : i32 from vector<1xi32>
      %broadcast_in_dim3A_94 = vector.broadcast %squeeze3A : i32 to vector<16xi32>
      %select_n3A_95 = arith.select %eq3A_91, %broadcast_in_dim3A_94, %scan3A_57 : vector<16xi1>, vector<16xi32>
      scf.yield %select_n3A_95 : vector<16xi32>
    }
    %scan3A_53 = arith.constant 16 : i32
    %swap3A_54 = arith.constant 0 : index
    %swap3A_55 = tpu.vector_load %arg8[%swap3A_54] {strides = array<i32>} : memref<16xi32, #tpu.memory_space<vmem>>, vector<16xi32>,
    tpu.vector_store %arg8[%swap3A_54], %scan3A_52 {strides = array<i32>} : memref<16xi32, #tpu.memory_space<vmem>>, vector<16xi32>,
    "tpu.region"() ({
      %run_scoped3A = tpu.sem_alloc : memref<!tpu.dma_semaphore, #tpu.memory_space<semaphore_mem>>
      %dma_start3A_56 = arith.constant 0 : i32
      %dma_start3A_57 = tpu.memref_slice %arg5[%add3A, %dma_start3A_56] : memref<32x16xi32, #tpu.memory_space<hbm>> -> memref<1x16xi32, #tpu.memory_space<hbm>>
      %dma_start3A_58 = tpu.memref_squeeze %dma_start3A_57 : memref<1x16xi32, #tpu.memory_space<hbm>> -> memref<16xi32, #tpu.memory_space<hbm>>
      %dma_start3A_59 = arith.constant 0 : i32
      %dma_start3A_60 = tpu.memref_slice %arg5[%add3A, %dma_start3A_59] : memref<32x16xi32, #tpu.memory_space<hbm>> -> memref<1x16xi32, #tpu.memory_space<hbm>>
      %dma_start3A_61 = tpu.memref_squeeze %dma_start3A_60 : memref<1x16xi32, #tpu.memory_space<hbm>> -> memref<16xi32, #tpu.memory_space<hbm>>
      tpu.enqueue_dma source(%arg8 : memref<16xi32, #tpu.memory_space<vmem>>) target(%dma_start3A_61 : memref<16xi32, #tpu.memory_space<hbm>>) target_semaphore(%run_scoped3A : memref<!tpu.dma_semaphore, #tpu.memory_space<semaphore_mem>>)
      %dma_wait3A_62 = arith.constant 0 : i32
      %dma_wait3A_63 = tpu.memref_slice %arg5[%add3A, %dma_wait3A_62] : memref<32x16xi32, #tpu.memory_space<hbm>> -> memref<1x16xi32, #tpu.memory_space<hbm>>
      %dma_wait3A_64 = tpu.memref_squeeze %dma_wait3A_63 : memref<1x16xi32, #tpu.memory_space<hbm>> -> memref<16xi32, #tpu.memory_space<hbm>>
      %dma_wait3A_65 = arith.constant 0 : i32
      %dma_wait3A_66 = tpu.memref_slice %arg5[%add3A, %dma_wait3A_65] : memref<32x16xi32, #tpu.memory_space<hbm>> -> memref<1x16xi32, #tpu.memory_space<hbm>>
      %dma_wait3A_67 = tpu.memref_squeeze %dma_wait3A_66 : memref<1x16xi32, #tpu.memory_space<hbm>> -> memref<16xi32, #tpu.memory_space<hbm>>
      tpu.wait_dma2 semaphore(%run_scoped3A : memref<!tpu.dma_semaphore, #tpu.memory_space<semaphore_mem>>) src(%arg8 : memref<16xi32, #tpu.memory_space<vmem>>) dst(%dma_wait3A_67 : memref<16xi32, #tpu.memory_space<hbm>>)
      tpu.yield
    }) : () -> ()
    return
  }
}

#map = affine_map<(d0, d1) -> (0)>
#map1 = affine_map<(d0, d1) -> (0, 0)>
module attributes {stable_mosaic.version = 14 : i64} {
  func.func @_route2(%arg0: i32, %arg1: i32, %arg2: memref<2048xi32, #tpu.memory_space<hbm>>, %arg3: memref<32x16xi32, #tpu.memory_space<hbm>>, %arg4: memref<2048x768xf32, #tpu.memory_space<hbm>>, %arg5: memref<6144x768xf32, #tpu.memory_space<hbm>>, %arg6: memref<2048xi32, #tpu.memory_space<hbm>>, %arg7: memref<32xi32, #tpu.memory_space<hbm>>, %arg8: memref<32xi32, #tpu.memory_space<hbm>>, %arg9: memref<32xi32, #tpu.memory_space<hbm>>, %arg10: memref<64xi32, #tpu.memory_space<vmem>>, %arg11: memref<32x16xi32, #tpu.memory_space<vmem>>, %arg12: memref<64xi32, #tpu.memory_space<vmem>>, %arg13: memref<32xi32, #tpu.memory_space<vmem>>, %arg14: memref<32xi32, #tpu.memory_space<vmem>>, %arg15: memref<32xi32, #tpu.memory_space<vmem>>, %arg16: memref<64x768xf32, #tpu.memory_space<vmem>>, %arg17: memref<!tpu.dma_semaphore, #tpu.memory_space<semaphore_mem>>) attributes {dimension_semantics = [#tpu.dimension_semantics<core_parallel>, #tpu.dimension_semantics<subcore_parallel>], iteration_bounds = array<i64: 2, 16>, scalar_prefetch = 0 : i64, scratch_operands = 8 : i64, tpu.core_type = #tpu.core_type<sc_vector_subcore>, window_params = [{transform_indices = #map}, {transform_indices = #map1}, {transform_indices = #map1}, {transform_indices = #map1}, {transform_indices = #map}, {transform_indices = #map}, {transform_indices = #map}, {transform_indices = #map}]} {
    %mul3A = arith.constant 2 : i32
    %mul3A_0 = arith.muli %arg1, %mul3A : i32
    %add3A = arith.addi %mul3A_0, %arg0 : i32
    %mul3A_1 = arith.constant 64 : i32
    %mul3A_2 = arith.muli %add3A, %mul3A_1 : i32
    "tpu.region"() ({
      %run_scoped3A = tpu.sem_alloc : memref<!tpu.dma_semaphore, #tpu.memory_space<semaphore_mem>>
      %dma_start3A_159 = tpu.memref_slice %arg2[%mul3A_2] : memref<2048xi32, #tpu.memory_space<hbm>> -> memref<64xi32, #tpu.memory_space<hbm>>
      %dma_start3A_160 = tpu.memref_slice %arg2[%mul3A_2] : memref<2048xi32, #tpu.memory_space<hbm>> -> memref<64xi32, #tpu.memory_space<hbm>>
      tpu.enqueue_dma source(%dma_start3A_160 : memref<64xi32, #tpu.memory_space<hbm>>) target(%arg10 : memref<64xi32, #tpu.memory_space<vmem>>) target_semaphore(%run_scoped3A : memref<!tpu.dma_semaphore, #tpu.memory_space<semaphore_mem>>)
      %dma_wait3A_161 = tpu.memref_slice %arg2[%mul3A_2] : memref<2048xi32, #tpu.memory_space<hbm>> -> memref<64xi32, #tpu.memory_space<hbm>>
      %dma_wait3A_162 = tpu.memref_slice %arg2[%mul3A_2] : memref<2048xi32, #tpu.memory_space<hbm>> -> memref<64xi32, #tpu.memory_space<hbm>>
      tpu.wait_dma2 semaphore(%run_scoped3A : memref<!tpu.dma_semaphore, #tpu.memory_space<semaphore_mem>>) src(%dma_wait3A_162 : memref<64xi32, #tpu.memory_space<hbm>>) dst(%arg10 : memref<64xi32, #tpu.memory_space<vmem>>)
      tpu.yield
    }) : () -> ()
    "tpu.region"() ({
      %run_scoped3A = tpu.sem_alloc : memref<!tpu.dma_semaphore, #tpu.memory_space<semaphore_mem>>
      tpu.enqueue_dma source(%arg3 : memref<32x16xi32, #tpu.memory_space<hbm>>) target(%arg11 : memref<32x16xi32, #tpu.memory_space<vmem>>) target_semaphore(%run_scoped3A : memref<!tpu.dma_semaphore, #tpu.memory_space<semaphore_mem>>)
      tpu.wait_dma2 semaphore(%run_scoped3A : memref<!tpu.dma_semaphore, #tpu.memory_space<semaphore_mem>>) src(%arg3 : memref<32x16xi32, #tpu.memory_space<hbm>>) dst(%arg11 : memref<32x16xi32, #tpu.memory_space<vmem>>)
      tpu.yield
    }) : () -> ()
    %iota3A = tpu.iota {dimensions = array<i32: 0>} : vector<16xi32>
    %broadcast_in_dim3A = arith.constant 0 : i32
    %broadcast_in_dim3A_3 = vector.broadcast %broadcast_in_dim3A : i32 to vector<16xi32>
    %broadcast_in_dim3A_4 = arith.constant 0 : i32
    %broadcast_in_dim3A_5 = vector.broadcast %broadcast_in_dim3A_4 : i32 to vector<16xi32>
    %scan3A = arith.constant 0 : i32
    %scan3A_6 = arith.constant 16 : i32
    %scan3A_7 = arith.addi %scan3A, %scan3A_6 : i32
    %scan3A_8 = arith.constant 1 : i32
    %scan3A_9:2 = scf.for %scan3A_159 = %scan3A to %scan3A_7 step %scan3A_8 iter_args(%scan3A_160 = %broadcast_in_dim3A_3, %scan3A_161 = %broadcast_in_dim3A_5) -> (vector<16xi32>, vector<16xi32>)  : i32 {
      %broadcast_in_dim3A_162 = arith.constant 0 : i32
      %broadcast_in_dim3A_163 = vector.broadcast %broadcast_in_dim3A_162 : i32 to vector<16xi32>
      %add3A_164 = vector.broadcast %scan3A_159 : i32 to vector<16xi32>
      %add3A_165 = arith.addi %broadcast_in_dim3A_163, %add3A_164 : vector<16xi32>
      %gather3A_166 = tpu.vector_load_idx %arg11[%iota3A, %add3A_165] : memref<32x16xi32, #tpu.memory_space<vmem>>[vector<16xi32>, vector<16xi32>], vector<16xi32>,
      %add3A_167 = arith.constant 16 : i32
      %add3A_168 = vector.broadcast %add3A_167 : i32 to vector<16xi32>
      %add3A_169 = arith.addi %iota3A, %add3A_168 : vector<16xi32>
      %gather3A_170 = tpu.vector_load_idx %arg11[%add3A_169, %add3A_165] : memref<32x16xi32, #tpu.memory_space<vmem>>[vector<16xi32>, vector<16xi32>], vector<16xi32>,
      %broadcast_in_dim3A_171 = arith.constant true
      %broadcast_in_dim3A_172 = vector.broadcast %broadcast_in_dim3A_171 : i1 to vector<16xi1>
      %masked_cumsum3A_173 = tpu.scan <sum>, %gather3A_166 masked %broadcast_in_dim3A_172 : vector<16xi32>, vector<16xi1> -> vector<16xi32>
      %slice3A = vector.extract_strided_slice %masked_cumsum3A_173 {offsets = [15], sizes = [1], strides = [1]} : vector<16xi32> to vector<1xi32>
      %squeeze3A = vector.extract %slice3A[0] : i32 from vector<1xi32>
      %broadcast_in_dim3A_174 = arith.constant true
      %broadcast_in_dim3A_175 = vector.broadcast %broadcast_in_dim3A_174 : i1 to vector<16xi1>
      %masked_cumsum3A_176 = tpu.scan <sum>, %gather3A_170 masked %broadcast_in_dim3A_175 : vector<16xi32>, vector<16xi1> -> vector<16xi32>
      %slice3A_177 = vector.extract_strided_slice %masked_cumsum3A_176 {offsets = [15], sizes = [1], strides = [1]} : vector<16xi32> to vector<1xi32>
      %squeeze3A_178 = vector.extract %slice3A_177[0] : i32 from vector<1xi32>
      %add3A_179 = arith.addi %squeeze3A, %squeeze3A_178 : i32
      %lt3A_180 = vector.broadcast %add3A : i32 to vector<16xi32>
      %lt3A_181 = arith.cmpi slt, %iota3A, %lt3A_180 : vector<16xi32>
      %jit3A = arith.constant 0 : i32
      %broadcast_in_dim3A_182 = vector.broadcast %jit3A : i32 to vector<16xi32>
      %select_n3A_183 = arith.select %lt3A_181, %gather3A_166, %broadcast_in_dim3A_182 : vector<16xi1>, vector<16xi32>
      %broadcast_in_dim3A_184 = arith.constant true
      %broadcast_in_dim3A_185 = vector.broadcast %broadcast_in_dim3A_184 : i1 to vector<16xi1>
      %masked_cumsum3A_186 = tpu.scan <sum>, %select_n3A_183 masked %broadcast_in_dim3A_185 : vector<16xi32>, vector<16xi1> -> vector<16xi32>
      %slice3A_187 = vector.extract_strided_slice %masked_cumsum3A_186 {offsets = [15], sizes = [1], strides = [1]} : vector<16xi32> to vector<1xi32>
      %squeeze3A_188 = vector.extract %slice3A_187[0] : i32 from vector<1xi32>
      %add3A_189 = arith.constant 16 : i32
      %add3A_190 = vector.broadcast %add3A_189 : i32 to vector<16xi32>
      %add3A_191 = arith.addi %iota3A, %add3A_190 : vector<16xi32>
      %lt3A_192 = vector.broadcast %add3A : i32 to vector<16xi32>
      %lt3A_193 = arith.cmpi slt, %add3A_191, %lt3A_192 : vector<16xi32>
      %jit3A_194 = arith.constant 0 : i32
      %broadcast_in_dim3A_195 = vector.broadcast %jit3A_194 : i32 to vector<16xi32>
      %select_n3A_196 = arith.select %lt3A_193, %gather3A_170, %broadcast_in_dim3A_195 : vector<16xi1>, vector<16xi32>
      %broadcast_in_dim3A_197 = arith.constant true
      %broadcast_in_dim3A_198 = vector.broadcast %broadcast_in_dim3A_197 : i1 to vector<16xi1>
      %masked_cumsum3A_199 = tpu.scan <sum>, %select_n3A_196 masked %broadcast_in_dim3A_198 : vector<16xi32>, vector<16xi1> -> vector<16xi32>
      %slice3A_200 = vector.extract_strided_slice %masked_cumsum3A_199 {offsets = [15], sizes = [1], strides = [1]} : vector<16xi32> to vector<1xi32>
      %squeeze3A_201 = vector.extract %slice3A_200[0] : i32 from vector<1xi32>
      %add3A_202 = arith.addi %squeeze3A_188, %squeeze3A_201 : i32
      %eq3A_203 = vector.broadcast %scan3A_159 : i32 to vector<16xi32>
      %eq3A_204 = arith.cmpi eq, %iota3A, %eq3A_203 : vector<16xi32>
      %broadcast_in_dim3A_205 = vector.broadcast %add3A_179 : i32 to vector<16xi32>
      %select_n3A_206 = arith.select %eq3A_204, %broadcast_in_dim3A_205, %scan3A_160 : vector<16xi1>, vector<16xi32>
      %eq3A_207 = vector.broadcast %scan3A_159 : i32 to vector<16xi32>
      %eq3A_208 = arith.cmpi eq, %iota3A, %eq3A_207 : vector<16xi32>
      %broadcast_in_dim3A_209 = vector.broadcast %add3A_202 : i32 to vector<16xi32>
      %select_n3A_210 = arith.select %eq3A_208, %broadcast_in_dim3A_209, %scan3A_161 : vector<16xi1>, vector<16xi32>
      scf.yield %select_n3A_206, %select_n3A_210 : vector<16xi32>, vector<16xi32>
    }
    %scan3A_10 = arith.constant 16 : i32
    %add3A_11 = arith.constant 255 : i32
    %add3A_12 = vector.broadcast %add3A_11 : i32 to vector<16xi32>
    %add3A_13 = arith.addi %scan3A_9#0, %add3A_12 : vector<16xi32>
    %not3A = arith.constant 255 : i32
    %not3A_14 = arith.constant -1 : i32
    %not3A_15 = arith.xori %not3A, %not3A_14 : i32
    %and3A = vector.broadcast %not3A_15 : i32 to vector<16xi32>
    %and3A_16 = arith.andi %add3A_13, %and3A : vector<16xi32>
    %broadcast_in_dim3A_17 = arith.constant true
    %broadcast_in_dim3A_18 = vector.broadcast %broadcast_in_dim3A_17 : i1 to vector<16xi1>
    %masked_cumsum3A = tpu.scan <sum>, %and3A_16 masked %broadcast_in_dim3A_18 : vector<16xi32>, vector<16xi1> -> vector<16xi32>
    %sub3A = arith.subi %masked_cumsum3A, %and3A_16 : vector<16xi32>
    %add3A_19 = arith.addi %sub3A, %scan3A_9#1 : vector<16xi32>
    %get3A = arith.constant 0 : index
    %get3A_20 = tpu.vector_load %arg10[%get3A] {strides = array<i32>} : memref<64xi32, #tpu.memory_space<vmem>>, vector<16xi32>,
    %get3A_21 = arith.constant 16 : index
    %get3A_22 = tpu.vector_load %arg10[%get3A_21] {strides = array<i32>} : memref<64xi32, #tpu.memory_space<vmem>>, vector<16xi32>,
    %get3A_23 = arith.constant 32 : index
    %get3A_24 = tpu.vector_load %arg10[%get3A_23] {strides = array<i32>} : memref<64xi32, #tpu.memory_space<vmem>>, vector<16xi32>,
    %get3A_25 = arith.constant 48 : index
    %get3A_26 = tpu.vector_load %arg10[%get3A_25] {strides = array<i32>} : memref<64xi32, #tpu.memory_space<vmem>>, vector<16xi32>,
    %broadcast_in_dim3A_27 = arith.constant 0 : i32
    %broadcast_in_dim3A_28 = vector.broadcast %broadcast_in_dim3A_27 : i32 to vector<16xi32>
    %lt3A = arith.constant 0 : i32
    %lt3A_29 = vector.broadcast %lt3A : i32 to vector<16xi32>
    %lt3A_30 = arith.cmpi slt, %get3A_20, %lt3A_29 : vector<16xi32>
    %add3A_31 = arith.constant 16 : i32
    %add3A_32 = vector.broadcast %add3A_31 : i32 to vector<16xi32>
    %add3A_33 = arith.addi %get3A_20, %add3A_32 : vector<16xi32>
    %select_n3A = arith.select %lt3A_30, %add3A_33, %get3A_20 : vector<16xi1>, vector<16xi32>
    %broadcast_in_dim3A_34 = vector.shape_cast %select_n3A : vector<16xi32> to vector<16x1xi32>
    %gather3A = vector.shape_cast %broadcast_in_dim3A_34 : vector<16x1xi32> to vector<16xi32>
    %gather3A_35 = tpu.dynamic_gather %add3A_19[%gather3A] in [0] : vector<16xi32>, vector<16xi32> -> vector<16xi32>
    %lt3A_36 = arith.constant 0 : i32
    %lt3A_37 = vector.broadcast %lt3A_36 : i32 to vector<16xi32>
    %lt3A_38 = arith.cmpi slt, %get3A_20, %lt3A_37 : vector<16xi32>
    %add3A_39 = arith.constant 16 : i32
    %add3A_40 = vector.broadcast %add3A_39 : i32 to vector<16xi32>
    %add3A_41 = arith.addi %get3A_20, %add3A_40 : vector<16xi32>
    %select_n3A_42 = arith.select %lt3A_38, %add3A_41, %get3A_20 : vector<16xi1>, vector<16xi32>
    %broadcast_in_dim3A_43 = vector.shape_cast %select_n3A_42 : vector<16xi32> to vector<16x1xi32>
    %gather3A_44 = vector.shape_cast %broadcast_in_dim3A_43 : vector<16x1xi32> to vector<16xi32>
    %gather3A_45 = tpu.dynamic_gather %broadcast_in_dim3A_28[%gather3A_44] in [0] : vector<16xi32>, vector<16xi32> -> vector<16xi32>
    %broadcast_in_dim3A_46 = arith.constant 0 : i32
    %broadcast_in_dim3A_47 = vector.broadcast %broadcast_in_dim3A_46 : i32 to vector<16xi32>
    %scan3A_48 = arith.constant 0 : i32
    %scan3A_49 = arith.constant 16 : i32
    %scan3A_50 = arith.addi %scan3A_48, %scan3A_49 : i32
    %scan3A_51 = arith.constant 1 : i32
    %scan3A_52:2 = scf.for %scan3A_159 = %scan3A_48 to %scan3A_50 step %scan3A_51 iter_args(%scan3A_160 = %broadcast_in_dim3A_47, %scan3A_161 = %broadcast_in_dim3A_28) -> (vector<16xi32>, vector<16xi32>)  : i32 {
      %eq3A_162 = vector.broadcast %scan3A_159 : i32 to vector<16xi32>
      %eq3A_163 = arith.cmpi eq, %get3A_20, %eq3A_162 : vector<16xi32>
      %jit3A = arith.constant 1 : i32
      %jit3A_164 = arith.constant 0 : i32
      %broadcast_in_dim3A_165 = vector.broadcast %jit3A : i32 to vector<16xi32>
      %broadcast_in_dim3A_166 = vector.broadcast %jit3A_164 : i32 to vector<16xi32>
      %select_n3A_167 = arith.select %eq3A_163, %broadcast_in_dim3A_165, %broadcast_in_dim3A_166 : vector<16xi1>, vector<16xi32>
      %broadcast_in_dim3A_168 = arith.constant true
      %broadcast_in_dim3A_169 = vector.broadcast %broadcast_in_dim3A_168 : i1 to vector<16xi1>
      %masked_cumsum3A_170 = tpu.scan <sum>, %select_n3A_167 masked %broadcast_in_dim3A_169 : vector<16xi32>, vector<16xi1> -> vector<16xi32>
      %sub3A_171 = arith.subi %masked_cumsum3A_170, %select_n3A_167 : vector<16xi32>
      %mul3A_172 = arith.muli %select_n3A_167, %sub3A_171 : vector<16xi32>
      %add3A_173 = arith.addi %scan3A_160, %mul3A_172 : vector<16xi32>
      %eq3A_174 = vector.broadcast %scan3A_159 : i32 to vector<16xi32>
      %eq3A_175 = arith.cmpi eq, %iota3A, %eq3A_174 : vector<16xi32>
      %slice3A = vector.extract_strided_slice %masked_cumsum3A_170 {offsets = [15], sizes = [1], strides = [1]} : vector<16xi32> to vector<1xi32>
      %squeeze3A = vector.extract %slice3A[0] : i32 from vector<1xi32>
      %jit3A_176 = arith.constant 0 : i32
      %broadcast_in_dim3A_177 = vector.broadcast %squeeze3A : i32 to vector<16xi32>
      %broadcast_in_dim3A_178 = vector.broadcast %jit3A_176 : i32 to vector<16xi32>
      %select_n3A_179 = arith.select %eq3A_175, %broadcast_in_dim3A_177, %broadcast_in_dim3A_178 : vector<16xi1>, vector<16xi32>
      %add3A_180 = arith.addi %scan3A_161, %select_n3A_179 : vector<16xi32>
      scf.yield %add3A_173, %add3A_180 : vector<16xi32>, vector<16xi32>
    }
    %scan3A_53 = arith.constant 16 : i32
    %add3A_54 = arith.addi %gather3A_35, %gather3A_45 : vector<16xi32>
    %add3A_55 = arith.addi %add3A_54, %scan3A_52#0 : vector<16xi32>
    %swap3A = arith.constant 0 : index
    %swap3A_56 = tpu.vector_load %arg12[%swap3A] {strides = array<i32>} : memref<64xi32, #tpu.memory_space<vmem>>, vector<16xi32>,
    tpu.vector_store %arg12[%swap3A], %add3A_55 {strides = array<i32>} : memref<64xi32, #tpu.memory_space<vmem>>, vector<16xi32>,
    %lt3A_57 = arith.constant 0 : i32
    %lt3A_58 = vector.broadcast %lt3A_57 : i32 to vector<16xi32>
    %lt3A_59 = arith.cmpi slt, %get3A_22, %lt3A_58 : vector<16xi32>
    %add3A_60 = arith.constant 16 : i32
    %add3A_61 = vector.broadcast %add3A_60 : i32 to vector<16xi32>
    %add3A_62 = arith.addi %get3A_22, %add3A_61 : vector<16xi32>
    %select_n3A_63 = arith.select %lt3A_59, %add3A_62, %get3A_22 : vector<16xi1>, vector<16xi32>
    %broadcast_in_dim3A_64 = vector.shape_cast %select_n3A_63 : vector<16xi32> to vector<16x1xi32>
    %gather3A_65 = vector.shape_cast %broadcast_in_dim3A_64 : vector<16x1xi32> to vector<16xi32>
    %gather3A_66 = tpu.dynamic_gather %add3A_19[%gather3A_65] in [0] : vector<16xi32>, vector<16xi32> -> vector<16xi32>
    %lt3A_67 = arith.constant 0 : i32
    %lt3A_68 = vector.broadcast %lt3A_67 : i32 to vector<16xi32>
    %lt3A_69 = arith.cmpi slt, %get3A_22, %lt3A_68 : vector<16xi32>
    %add3A_70 = arith.constant 16 : i32
    %add3A_71 = vector.broadcast %add3A_70 : i32 to vector<16xi32>
    %add3A_72 = arith.addi %get3A_22, %add3A_71 : vector<16xi32>
    %select_n3A_73 = arith.select %lt3A_69, %add3A_72, %get3A_22 : vector<16xi1>, vector<16xi32>
    %broadcast_in_dim3A_74 = vector.shape_cast %select_n3A_73 : vector<16xi32> to vector<16x1xi32>
    %gather3A_75 = vector.shape_cast %broadcast_in_dim3A_74 : vector<16x1xi32> to vector<16xi32>
    %gather3A_76 = tpu.dynamic_gather %scan3A_52#1[%gather3A_75] in [0] : vector<16xi32>, vector<16xi32> -> vector<16xi32>
    %broadcast_in_dim3A_77 = arith.constant 0 : i32
    %broadcast_in_dim3A_78 = vector.broadcast %broadcast_in_dim3A_77 : i32 to vector<16xi32>
    %scan3A_79 = arith.constant 0 : i32
    %scan3A_80 = arith.constant 16 : i32
    %scan3A_81 = arith.addi %scan3A_79, %scan3A_80 : i32
    %scan3A_82 = arith.constant 1 : i32
    %scan3A_83:2 = scf.for %scan3A_159 = %scan3A_79 to %scan3A_81 step %scan3A_82 iter_args(%scan3A_160 = %broadcast_in_dim3A_78, %scan3A_161 = %scan3A_52#1) -> (vector<16xi32>, vector<16xi32>)  : i32 {
      %eq3A_162 = vector.broadcast %scan3A_159 : i32 to vector<16xi32>
      %eq3A_163 = arith.cmpi eq, %get3A_22, %eq3A_162 : vector<16xi32>
      %jit3A = arith.constant 1 : i32
      %jit3A_164 = arith.constant 0 : i32
      %broadcast_in_dim3A_165 = vector.broadcast %jit3A : i32 to vector<16xi32>
      %broadcast_in_dim3A_166 = vector.broadcast %jit3A_164 : i32 to vector<16xi32>
      %select_n3A_167 = arith.select %eq3A_163, %broadcast_in_dim3A_165, %broadcast_in_dim3A_166 : vector<16xi1>, vector<16xi32>
      %broadcast_in_dim3A_168 = arith.constant true
      %broadcast_in_dim3A_169 = vector.broadcast %broadcast_in_dim3A_168 : i1 to vector<16xi1>
      %masked_cumsum3A_170 = tpu.scan <sum>, %select_n3A_167 masked %broadcast_in_dim3A_169 : vector<16xi32>, vector<16xi1> -> vector<16xi32>
      %sub3A_171 = arith.subi %masked_cumsum3A_170, %select_n3A_167 : vector<16xi32>
      %mul3A_172 = arith.muli %select_n3A_167, %sub3A_171 : vector<16xi32>
      %add3A_173 = arith.addi %scan3A_160, %mul3A_172 : vector<16xi32>
      %eq3A_174 = vector.broadcast %scan3A_159 : i32 to vector<16xi32>
      %eq3A_175 = arith.cmpi eq, %iota3A, %eq3A_174 : vector<16xi32>
      %slice3A = vector.extract_strided_slice %masked_cumsum3A_170 {offsets = [15], sizes = [1], strides = [1]} : vector<16xi32> to vector<1xi32>
      %squeeze3A = vector.extract %slice3A[0] : i32 from vector<1xi32>
      %jit3A_176 = arith.constant 0 : i32
      %broadcast_in_dim3A_177 = vector.broadcast %squeeze3A : i32 to vector<16xi32>
      %broadcast_in_dim3A_178 = vector.broadcast %jit3A_176 : i32 to vector<16xi32>
      %select_n3A_179 = arith.select %eq3A_175, %broadcast_in_dim3A_177, %broadcast_in_dim3A_178 : vector<16xi1>, vector<16xi32>
      %add3A_180 = arith.addi %scan3A_161, %select_n3A_179 : vector<16xi32>
      scf.yield %add3A_173, %add3A_180 : vector<16xi32>, vector<16xi32>
    }
    %scan3A_84 = arith.constant 16 : i32
    %add3A_85 = arith.addi %gather3A_66, %gather3A_76 : vector<16xi32>
    %add3A_86 = arith.addi %add3A_85, %scan3A_83#0 : vector<16xi32>
    %swap3A_87 = arith.constant 16 : index
    %swap3A_88 = tpu.vector_load %arg12[%swap3A_87] {strides = array<i32>} : memref<64xi32, #tpu.memory_space<vmem>>, vector<16xi32>,
    tpu.vector_store %arg12[%swap3A_87], %add3A_86 {strides = array<i32>} : memref<64xi32, #tpu.memory_space<vmem>>, vector<16xi32>,
    %lt3A_89 = arith.constant 0 : i32
    %lt3A_90 = vector.broadcast %lt3A_89 : i32 to vector<16xi32>
    %lt3A_91 = arith.cmpi slt, %get3A_24, %lt3A_90 : vector<16xi32>
    %add3A_92 = arith.constant 16 : i32
    %add3A_93 = vector.broadcast %add3A_92 : i32 to vector<16xi32>
    %add3A_94 = arith.addi %get3A_24, %add3A_93 : vector<16xi32>
    %select_n3A_95 = arith.select %lt3A_91, %add3A_94, %get3A_24 : vector<16xi1>, vector<16xi32>
    %broadcast_in_dim3A_96 = vector.shape_cast %select_n3A_95 : vector<16xi32> to vector<16x1xi32>
    %gather3A_97 = vector.shape_cast %broadcast_in_dim3A_96 : vector<16x1xi32> to vector<16xi32>
    %gather3A_98 = tpu.dynamic_gather %add3A_19[%gather3A_97] in [0] : vector<16xi32>, vector<16xi32> -> vector<16xi32>
    %lt3A_99 = arith.constant 0 : i32
    %lt3A_100 = vector.broadcast %lt3A_99 : i32 to vector<16xi32>
    %lt3A_101 = arith.cmpi slt, %get3A_24, %lt3A_100 : vector<16xi32>
    %add3A_102 = arith.constant 16 : i32
    %add3A_103 = vector.broadcast %add3A_102 : i32 to vector<16xi32>
    %add3A_104 = arith.addi %get3A_24, %add3A_103 : vector<16xi32>
    %select_n3A_105 = arith.select %lt3A_101, %add3A_104, %get3A_24 : vector<16xi1>, vector<16xi32>
    %broadcast_in_dim3A_106 = vector.shape_cast %select_n3A_105 : vector<16xi32> to vector<16x1xi32>
    %gather3A_107 = vector.shape_cast %broadcast_in_dim3A_106 : vector<16x1xi32> to vector<16xi32>
    %gather3A_108 = tpu.dynamic_gather %scan3A_83#1[%gather3A_107] in [0] : vector<16xi32>, vector<16xi32> -> vector<16xi32>
    %broadcast_in_dim3A_109 = arith.constant 0 : i32
    %broadcast_in_dim3A_110 = vector.broadcast %broadcast_in_dim3A_109 : i32 to vector<16xi32>
    %scan3A_111 = arith.constant 0 : i32
    %scan3A_112 = arith.constant 16 : i32
    %scan3A_113 = arith.addi %scan3A_111, %scan3A_112 : i32
    %scan3A_114 = arith.constant 1 : i32
    %scan3A_115:2 = scf.for %scan3A_159 = %scan3A_111 to %scan3A_113 step %scan3A_114 iter_args(%scan3A_160 = %broadcast_in_dim3A_110, %scan3A_161 = %scan3A_83#1) -> (vector<16xi32>, vector<16xi32>)  : i32 {
      %eq3A_162 = vector.broadcast %scan3A_159 : i32 to vector<16xi32>
      %eq3A_163 = arith.cmpi eq, %get3A_24, %eq3A_162 : vector<16xi32>
      %jit3A = arith.constant 1 : i32
      %jit3A_164 = arith.constant 0 : i32
      %broadcast_in_dim3A_165 = vector.broadcast %jit3A : i32 to vector<16xi32>
      %broadcast_in_dim3A_166 = vector.broadcast %jit3A_164 : i32 to vector<16xi32>
      %select_n3A_167 = arith.select %eq3A_163, %broadcast_in_dim3A_165, %broadcast_in_dim3A_166 : vector<16xi1>, vector<16xi32>
      %broadcast_in_dim3A_168 = arith.constant true
      %broadcast_in_dim3A_169 = vector.broadcast %broadcast_in_dim3A_168 : i1 to vector<16xi1>
      %masked_cumsum3A_170 = tpu.scan <sum>, %select_n3A_167 masked %broadcast_in_dim3A_169 : vector<16xi32>, vector<16xi1> -> vector<16xi32>
      %sub3A_171 = arith.subi %masked_cumsum3A_170, %select_n3A_167 : vector<16xi32>
      %mul3A_172 = arith.muli %select_n3A_167, %sub3A_171 : vector<16xi32>
      %add3A_173 = arith.addi %scan3A_160, %mul3A_172 : vector<16xi32>
      %eq3A_174 = vector.broadcast %scan3A_159 : i32 to vector<16xi32>
      %eq3A_175 = arith.cmpi eq, %iota3A, %eq3A_174 : vector<16xi32>
      %slice3A = vector.extract_strided_slice %masked_cumsum3A_170 {offsets = [15], sizes = [1], strides = [1]} : vector<16xi32> to vector<1xi32>
      %squeeze3A = vector.extract %slice3A[0] : i32 from vector<1xi32>
      %jit3A_176 = arith.constant 0 : i32
      %broadcast_in_dim3A_177 = vector.broadcast %squeeze3A : i32 to vector<16xi32>
      %broadcast_in_dim3A_178 = vector.broadcast %jit3A_176 : i32 to vector<16xi32>
      %select_n3A_179 = arith.select %eq3A_175, %broadcast_in_dim3A_177, %broadcast_in_dim3A_178 : vector<16xi1>, vector<16xi32>
      %add3A_180 = arith.addi %scan3A_161, %select_n3A_179 : vector<16xi32>
      scf.yield %add3A_173, %add3A_180 : vector<16xi32>, vector<16xi32>
    }
    %scan3A_116 = arith.constant 16 : i32
    %add3A_117 = arith.addi %gather3A_98, %gather3A_108 : vector<16xi32>
    %add3A_118 = arith.addi %add3A_117, %scan3A_115#0 : vector<16xi32>
    %swap3A_119 = arith.constant 32 : index
    %swap3A_120 = tpu.vector_load %arg12[%swap3A_119] {strides = array<i32>} : memref<64xi32, #tpu.memory_space<vmem>>, vector<16xi32>,
    tpu.vector_store %arg12[%swap3A_119], %add3A_118 {strides = array<i32>} : memref<64xi32, #tpu.memory_space<vmem>>, vector<16xi32>,
    %lt3A_121 = arith.constant 0 : i32
    %lt3A_122 = vector.broadcast %lt3A_121 : i32 to vector<16xi32>
    %lt3A_123 = arith.cmpi slt, %get3A_26, %lt3A_122 : vector<16xi32>
    %add3A_124 = arith.constant 16 : i32
    %add3A_125 = vector.broadcast %add3A_124 : i32 to vector<16xi32>
    %add3A_126 = arith.addi %get3A_26, %add3A_125 : vector<16xi32>
    %select_n3A_127 = arith.select %lt3A_123, %add3A_126, %get3A_26 : vector<16xi1>, vector<16xi32>
    %broadcast_in_dim3A_128 = vector.shape_cast %select_n3A_127 : vector<16xi32> to vector<16x1xi32>
    %gather3A_129 = vector.shape_cast %broadcast_in_dim3A_128 : vector<16x1xi32> to vector<16xi32>
    %gather3A_130 = tpu.dynamic_gather %add3A_19[%gather3A_129] in [0] : vector<16xi32>, vector<16xi32> -> vector<16xi32>
    %lt3A_131 = arith.constant 0 : i32
    %lt3A_132 = vector.broadcast %lt3A_131 : i32 to vector<16xi32>
    %lt3A_133 = arith.cmpi slt, %get3A_26, %lt3A_132 : vector<16xi32>
    %add3A_134 = arith.constant 16 : i32
    %add3A_135 = vector.broadcast %add3A_134 : i32 to vector<16xi32>
    %add3A_136 = arith.addi %get3A_26, %add3A_135 : vector<16xi32>
    %select_n3A_137 = arith.select %lt3A_133, %add3A_136, %get3A_26 : vector<16xi1>, vector<16xi32>
    %broadcast_in_dim3A_138 = vector.shape_cast %select_n3A_137 : vector<16xi32> to vector<16x1xi32>
    %gather3A_139 = vector.shape_cast %broadcast_in_dim3A_138 : vector<16x1xi32> to vector<16xi32>
    %gather3A_140 = tpu.dynamic_gather %scan3A_115#1[%gather3A_139] in [0] : vector<16xi32>, vector<16xi32> -> vector<16xi32>
    %broadcast_in_dim3A_141 = arith.constant 0 : i32
    %broadcast_in_dim3A_142 = vector.broadcast %broadcast_in_dim3A_141 : i32 to vector<16xi32>
    %scan3A_143 = arith.constant 0 : i32
    %scan3A_144 = arith.constant 16 : i32
    %scan3A_145 = arith.addi %scan3A_143, %scan3A_144 : i32
    %scan3A_146 = arith.constant 1 : i32
    %scan3A_147:2 = scf.for %scan3A_159 = %scan3A_143 to %scan3A_145 step %scan3A_146 iter_args(%scan3A_160 = %broadcast_in_dim3A_142, %scan3A_161 = %scan3A_115#1) -> (vector<16xi32>, vector<16xi32>)  : i32 {
      %eq3A_162 = vector.broadcast %scan3A_159 : i32 to vector<16xi32>
      %eq3A_163 = arith.cmpi eq, %get3A_26, %eq3A_162 : vector<16xi32>
      %jit3A = arith.constant 1 : i32
      %jit3A_164 = arith.constant 0 : i32
      %broadcast_in_dim3A_165 = vector.broadcast %jit3A : i32 to vector<16xi32>
      %broadcast_in_dim3A_166 = vector.broadcast %jit3A_164 : i32 to vector<16xi32>
      %select_n3A_167 = arith.select %eq3A_163, %broadcast_in_dim3A_165, %broadcast_in_dim3A_166 : vector<16xi1>, vector<16xi32>
      %broadcast_in_dim3A_168 = arith.constant true
      %broadcast_in_dim3A_169 = vector.broadcast %broadcast_in_dim3A_168 : i1 to vector<16xi1>
      %masked_cumsum3A_170 = tpu.scan <sum>, %select_n3A_167 masked %broadcast_in_dim3A_169 : vector<16xi32>, vector<16xi1> -> vector<16xi32>
      %sub3A_171 = arith.subi %masked_cumsum3A_170, %select_n3A_167 : vector<16xi32>
      %mul3A_172 = arith.muli %select_n3A_167, %sub3A_171 : vector<16xi32>
      %add3A_173 = arith.addi %scan3A_160, %mul3A_172 : vector<16xi32>
      %eq3A_174 = vector.broadcast %scan3A_159 : i32 to vector<16xi32>
      %eq3A_175 = arith.cmpi eq, %iota3A, %eq3A_174 : vector<16xi32>
      %slice3A = vector.extract_strided_slice %masked_cumsum3A_170 {offsets = [15], sizes = [1], strides = [1]} : vector<16xi32> to vector<1xi32>
      %squeeze3A = vector.extract %slice3A[0] : i32 from vector<1xi32>
      %jit3A_176 = arith.constant 0 : i32
      %broadcast_in_dim3A_177 = vector.broadcast %squeeze3A : i32 to vector<16xi32>
      %broadcast_in_dim3A_178 = vector.broadcast %jit3A_176 : i32 to vector<16xi32>
      %select_n3A_179 = arith.select %eq3A_175, %broadcast_in_dim3A_177, %broadcast_in_dim3A_178 : vector<16xi1>, vector<16xi32>
      %add3A_180 = arith.addi %scan3A_161, %select_n3A_179 : vector<16xi32>
      scf.yield %add3A_173, %add3A_180 : vector<16xi32>, vector<16xi32>
    }
    %scan3A_148 = arith.constant 16 : i32
    %add3A_149 = arith.addi %gather3A_130, %gather3A_140 : vector<16xi32>
    %add3A_150 = arith.addi %add3A_149, %scan3A_147#0 : vector<16xi32>
    %swap3A_151 = arith.constant 48 : index
    %swap3A_152 = tpu.vector_load %arg12[%swap3A_151] {strides = array<i32>} : memref<64xi32, #tpu.memory_space<vmem>>, vector<16xi32>,
    tpu.vector_store %arg12[%swap3A_151], %add3A_150 {strides = array<i32>} : memref<64xi32, #tpu.memory_space<vmem>>, vector<16xi32>,
    "tpu.region"() ({
      %run_scoped3A = tpu.sem_alloc : memref<!tpu.dma_semaphore, #tpu.memory_space<semaphore_mem>>
      %dma_start3A_159 = tpu.memref_slice %arg6[%mul3A_2] : memref<2048xi32, #tpu.memory_space<hbm>> -> memref<64xi32, #tpu.memory_space<hbm>>
      %dma_start3A_160 = tpu.memref_slice %arg6[%mul3A_2] : memref<2048xi32, #tpu.memory_space<hbm>> -> memref<64xi32, #tpu.memory_space<hbm>>
      tpu.enqueue_dma source(%arg12 : memref<64xi32, #tpu.memory_space<vmem>>) target(%dma_start3A_160 : memref<64xi32, #tpu.memory_space<hbm>>) target_semaphore(%run_scoped3A : memref<!tpu.dma_semaphore, #tpu.memory_space<semaphore_mem>>)
      %dma_wait3A_161 = tpu.memref_slice %arg6[%mul3A_2] : memref<2048xi32, #tpu.memory_space<hbm>> -> memref<64xi32, #tpu.memory_space<hbm>>
      %dma_wait3A_162 = tpu.memref_slice %arg6[%mul3A_2] : memref<2048xi32, #tpu.memory_space<hbm>> -> memref<64xi32, #tpu.memory_space<hbm>>
      tpu.wait_dma2 semaphore(%run_scoped3A : memref<!tpu.dma_semaphore, #tpu.memory_space<semaphore_mem>>) src(%arg12 : memref<64xi32, #tpu.memory_space<vmem>>) dst(%dma_wait3A_162 : memref<64xi32, #tpu.memory_space<hbm>>)
      tpu.yield
    }) : () -> ()
    "tpu.region"() ({
      %run_scoped3A = tpu.sem_alloc : memref<!tpu.dma_semaphore, #tpu.memory_space<semaphore_mem>>
      %dma_start3A_159 = arith.constant 0 : i32
      %dma_start3A_160 = tpu.memref_slice %arg4[%mul3A_2, %dma_start3A_159] : memref<2048x768xf32, #tpu.memory_space<hbm>> -> memref<64x768xf32, #tpu.memory_space<hbm>>
      %dma_start3A_161 = arith.constant 0 : i32
      %dma_start3A_162 = tpu.memref_slice %arg4[%mul3A_2, %dma_start3A_161] : memref<2048x768xf32, #tpu.memory_space<hbm>> -> memref<64x768xf32, #tpu.memory_space<hbm>>
      tpu.enqueue_dma source(%dma_start3A_162 : memref<64x768xf32, #tpu.memory_space<hbm>>) target(%arg16 : memref<64x768xf32, #tpu.memory_space<vmem>>) target_semaphore(%run_scoped3A : memref<!tpu.dma_semaphore, #tpu.memory_space<semaphore_mem>>)
      %dma_wait3A_163 = arith.constant 0 : i32
      %dma_wait3A_164 = tpu.memref_slice %arg4[%mul3A_2, %dma_wait3A_163] : memref<2048x768xf32, #tpu.memory_space<hbm>> -> memref<64x768xf32, #tpu.memory_space<hbm>>
      %dma_wait3A_165 = arith.constant 0 : i32
      %dma_wait3A_166 = tpu.memref_slice %arg4[%mul3A_2, %dma_wait3A_165] : memref<2048x768xf32, #tpu.memory_space<hbm>> -> memref<64x768xf32, #tpu.memory_space<hbm>>
      tpu.wait_dma2 semaphore(%run_scoped3A : memref<!tpu.dma_semaphore, #tpu.memory_space<semaphore_mem>>) src(%dma_wait3A_166 : memref<64x768xf32, #tpu.memory_space<hbm>>) dst(%arg16 : memref<64x768xf32, #tpu.memory_space<vmem>>)
      tpu.yield
    }) : () -> ()
    %dma_start3A = arith.constant 0 : i32
    %dma_start3A_153 = arith.constant 0 : i32
    %dma_start3A_154 = tpu.memref_slice %arg5[%dma_start3A, %dma_start3A_153] : memref<6144x768xf32, #tpu.memory_space<hbm>> -> memref<6144x768xf32, #tpu.memory_space<hbm>>
    tpu.enqueue_indirect_dma source(%arg16 : memref<64x768xf32, #tpu.memory_space<vmem>>) target(%dma_start3A_154 : memref<6144x768xf32, #tpu.memory_space<hbm>>) offsets(%arg12 : memref<64xi32, #tpu.memory_space<vmem>>) semaphore(%arg17 : memref<!tpu.dma_semaphore, #tpu.memory_space<semaphore_mem>>)
    %dma_wait3A = arith.constant 0 : i32
    %dma_wait3A_155 = arith.constant 0 : i32
    %dma_wait3A_156 = tpu.memref_slice %arg5[%dma_wait3A, %dma_wait3A_155] : memref<6144x768xf32, #tpu.memory_space<hbm>> -> memref<6144x768xf32, #tpu.memory_space<hbm>>
    tpu.wait_indirect_dma semaphore(%arg17 : memref<!tpu.dma_semaphore, #tpu.memory_space<semaphore_mem>>) src(%arg16 : memref<64x768xf32, #tpu.memory_space<vmem>>) dst(%dma_wait3A_156 : memref<6144x768xf32, #tpu.memory_space<hbm>>)
    %eq3A = arith.constant 0 : i32
    %eq3A_157 = arith.cmpi eq, %add3A, %eq3A : i32
    %convert_element_type3A = arith.extui %eq3A_157 : i1 to i32
    %cond3A = arith.constant 0 : i32
    %cond3A_158 = arith.cmpi ne, %convert_element_type3A, %cond3A : i32
    scf.if %cond3A_158 {
      %slice3A = vector.extract_strided_slice %masked_cumsum3A {offsets = [15], sizes = [1], strides = [1]} : vector<16xi32> to vector<1xi32>
      %squeeze3A = vector.extract %slice3A[0] : i32 from vector<1xi32>
      %jit3A = arith.constant 256 : i32
      %div3A = arith.divsi %squeeze3A, %jit3A : i32
      %sign3A = arith.constant 0 : i32
      %sign3A_159 = arith.cmpi sgt, %squeeze3A, %sign3A : i32
      %sign3A_160 = arith.extui %sign3A_159 : i1 to i32
      %sign3A_161 = arith.constant 0 : i32
      %sign3A_162 = arith.cmpi slt, %squeeze3A, %sign3A_161 : i32
      %sign3A_163 = arith.extui %sign3A_162 : i1 to i32
      %sign3A_164 = arith.subi %sign3A_160, %sign3A_163 : i32
      %sign3A_165 = arith.constant 0 : i32
      %sign3A_166 = arith.cmpi sgt, %jit3A, %sign3A_165 : i32
      %sign3A_167 = arith.extui %sign3A_166 : i1 to i32
      %sign3A_168 = arith.constant 0 : i32
      %sign3A_169 = arith.cmpi slt, %jit3A, %sign3A_168 : i32
      %sign3A_170 = arith.extui %sign3A_169 : i1 to i32
      %sign3A_171 = arith.subi %sign3A_167, %sign3A_170 : i32
      %ne3A = arith.cmpi ne, %sign3A_164, %sign3A_171 : i32
      %rem3A = arith.remsi %squeeze3A, %jit3A : i32
      %ne3A_172 = arith.constant 0 : i32
      %ne3A_173 = arith.cmpi ne, %rem3A, %ne3A_172 : i32
      %and3A_174 = arith.andi %ne3A, %ne3A_173 : i1
      %sub3A_175 = arith.constant 1 : i32
      %sub3A_176 = arith.subi %div3A, %sub3A_175 : i32
      %select_n3A_177 = arith.select %and3A_174, %sub3A_176, %div3A : i32
      %add3A_178 = arith.constant 0 : i32
      %add3A_179 = vector.broadcast %add3A_178 : i32 to vector<16xi32>
      %add3A_180 = arith.addi %iota3A, %add3A_179 : vector<16xi32>
      %mul3A_181 = arith.constant 256 : i32
      %mul3A_182 = vector.broadcast %mul3A_181 : i32 to vector<16xi32>
      %mul3A_183 = arith.muli %add3A_180, %mul3A_182 : vector<16xi32>
      %broadcast_in_dim3A_184 = arith.constant 0 : i32
      %broadcast_in_dim3A_185 = vector.broadcast %broadcast_in_dim3A_184 : i32 to vector<16xi32>
      %slice3A_186 = vector.extract_strided_slice %masked_cumsum3A {offsets = [0], sizes = [1], strides = [1]} : vector<16xi32> to vector<1xi32>
      %squeeze3A_187 = vector.extract %slice3A_186[0] : i32 from vector<1xi32>
      %le3A = vector.broadcast %squeeze3A_187 : i32 to vector<16xi32>
      %le3A_188 = arith.cmpi sle, %le3A, %mul3A_183 : vector<16xi32>
      %jit3A_189 = arith.constant 1 : i32
      %jit3A_190 = arith.constant 0 : i32
      %broadcast_in_dim3A_191 = vector.broadcast %jit3A_189 : i32 to vector<16xi32>
      %broadcast_in_dim3A_192 = vector.broadcast %jit3A_190 : i32 to vector<16xi32>
      %select_n3A_193 = arith.select %le3A_188, %broadcast_in_dim3A_191, %broadcast_in_dim3A_192 : vector<16xi1>, vector<16xi32>
      %add3A_194 = arith.addi %broadcast_in_dim3A_185, %select_n3A_193 : vector<16xi32>
      %slice3A_195 = vector.extract_strided_slice %masked_cumsum3A {offsets = [1], sizes = [1], strides = [1]} : vector<16xi32> to vector<1xi32>
      %squeeze3A_196 = vector.extract %slice3A_195[0] : i32 from vector<1xi32>
      %le3A_197 = vector.broadcast %squeeze3A_196 : i32 to vector<16xi32>
      %le3A_198 = arith.cmpi sle, %le3A_197, %mul3A_183 : vector<16xi32>
      %jit3A_199 = arith.constant 1 : i32
      %jit3A_200 = arith.constant 0 : i32
      %broadcast_in_dim3A_201 = vector.broadcast %jit3A_199 : i32 to vector<16xi32>
      %broadcast_in_dim3A_202 = vector.broadcast %jit3A_200 : i32 to vector<16xi32>
      %select_n3A_203 = arith.select %le3A_198, %broadcast_in_dim3A_201, %broadcast_in_dim3A_202 : vector<16xi1>, vector<16xi32>
      %add3A_204 = arith.addi %add3A_194, %select_n3A_203 : vector<16xi32>
      %slice3A_205 = vector.extract_strided_slice %masked_cumsum3A {offsets = [2], sizes = [1], strides = [1]} : vector<16xi32> to vector<1xi32>
      %squeeze3A_206 = vector.extract %slice3A_205[0] : i32 from vector<1xi32>
      %le3A_207 = vector.broadcast %squeeze3A_206 : i32 to vector<16xi32>
      %le3A_208 = arith.cmpi sle, %le3A_207, %mul3A_183 : vector<16xi32>
      %jit3A_209 = arith.constant 1 : i32
      %jit3A_210 = arith.constant 0 : i32
      %broadcast_in_dim3A_211 = vector.broadcast %jit3A_209 : i32 to vector<16xi32>
      %broadcast_in_dim3A_212 = vector.broadcast %jit3A_210 : i32 to vector<16xi32>
      %select_n3A_213 = arith.select %le3A_208, %broadcast_in_dim3A_211, %broadcast_in_dim3A_212 : vector<16xi1>, vector<16xi32>
      %add3A_214 = arith.addi %add3A_204, %select_n3A_213 : vector<16xi32>
      %slice3A_215 = vector.extract_strided_slice %masked_cumsum3A {offsets = [3], sizes = [1], strides = [1]} : vector<16xi32> to vector<1xi32>
      %squeeze3A_216 = vector.extract %slice3A_215[0] : i32 from vector<1xi32>
      %le3A_217 = vector.broadcast %squeeze3A_216 : i32 to vector<16xi32>
      %le3A_218 = arith.cmpi sle, %le3A_217, %mul3A_183 : vector<16xi32>
      %jit3A_219 = arith.constant 1 : i32
      %jit3A_220 = arith.constant 0 : i32
      %broadcast_in_dim3A_221 = vector.broadcast %jit3A_219 : i32 to vector<16xi32>
      %broadcast_in_dim3A_222 = vector.broadcast %jit3A_220 : i32 to vector<16xi32>
      %select_n3A_223 = arith.select %le3A_218, %broadcast_in_dim3A_221, %broadcast_in_dim3A_222 : vector<16xi1>, vector<16xi32>
      %add3A_224 = arith.addi %add3A_214, %select_n3A_223 : vector<16xi32>
      %slice3A_225 = vector.extract_strided_slice %masked_cumsum3A {offsets = [4], sizes = [1], strides = [1]} : vector<16xi32> to vector<1xi32>
      %squeeze3A_226 = vector.extract %slice3A_225[0] : i32 from vector<1xi32>
      %le3A_227 = vector.broadcast %squeeze3A_226 : i32 to vector<16xi32>
      %le3A_228 = arith.cmpi sle, %le3A_227, %mul3A_183 : vector<16xi32>
      %jit3A_229 = arith.constant 1 : i32
      %jit3A_230 = arith.constant 0 : i32
      %broadcast_in_dim3A_231 = vector.broadcast %jit3A_229 : i32 to vector<16xi32>
      %broadcast_in_dim3A_232 = vector.broadcast %jit3A_230 : i32 to vector<16xi32>
      %select_n3A_233 = arith.select %le3A_228, %broadcast_in_dim3A_231, %broadcast_in_dim3A_232 : vector<16xi1>, vector<16xi32>
      %add3A_234 = arith.addi %add3A_224, %select_n3A_233 : vector<16xi32>
      %slice3A_235 = vector.extract_strided_slice %masked_cumsum3A {offsets = [5], sizes = [1], strides = [1]} : vector<16xi32> to vector<1xi32>
      %squeeze3A_236 = vector.extract %slice3A_235[0] : i32 from vector<1xi32>
      %le3A_237 = vector.broadcast %squeeze3A_236 : i32 to vector<16xi32>
      %le3A_238 = arith.cmpi sle, %le3A_237, %mul3A_183 : vector<16xi32>
      %jit3A_239 = arith.constant 1 : i32
      %jit3A_240 = arith.constant 0 : i32
      %broadcast_in_dim3A_241 = vector.broadcast %jit3A_239 : i32 to vector<16xi32>
      %broadcast_in_dim3A_242 = vector.broadcast %jit3A_240 : i32 to vector<16xi32>
      %select_n3A_243 = arith.select %le3A_238, %broadcast_in_dim3A_241, %broadcast_in_dim3A_242 : vector<16xi1>, vector<16xi32>
      %add3A_244 = arith.addi %add3A_234, %select_n3A_243 : vector<16xi32>
      %slice3A_245 = vector.extract_strided_slice %masked_cumsum3A {offsets = [6], sizes = [1], strides = [1]} : vector<16xi32> to vector<1xi32>
      %squeeze3A_246 = vector.extract %slice3A_245[0] : i32 from vector<1xi32>
      %le3A_247 = vector.broadcast %squeeze3A_246 : i32 to vector<16xi32>
      %le3A_248 = arith.cmpi sle, %le3A_247, %mul3A_183 : vector<16xi32>
      %jit3A_249 = arith.constant 1 : i32
      %jit3A_250 = arith.constant 0 : i32
      %broadcast_in_dim3A_251 = vector.broadcast %jit3A_249 : i32 to vector<16xi32>
      %broadcast_in_dim3A_252 = vector.broadcast %jit3A_250 : i32 to vector<16xi32>
      %select_n3A_253 = arith.select %le3A_248, %broadcast_in_dim3A_251, %broadcast_in_dim3A_252 : vector<16xi1>, vector<16xi32>
      %add3A_254 = arith.addi %add3A_244, %select_n3A_253 : vector<16xi32>
      %slice3A_255 = vector.extract_strided_slice %masked_cumsum3A {offsets = [7], sizes = [1], strides = [1]} : vector<16xi32> to vector<1xi32>
      %squeeze3A_256 = vector.extract %slice3A_255[0] : i32 from vector<1xi32>
      %le3A_257 = vector.broadcast %squeeze3A_256 : i32 to vector<16xi32>
      %le3A_258 = arith.cmpi sle, %le3A_257, %mul3A_183 : vector<16xi32>
      %jit3A_259 = arith.constant 1 : i32
      %jit3A_260 = arith.constant 0 : i32
      %broadcast_in_dim3A_261 = vector.broadcast %jit3A_259 : i32 to vector<16xi32>
      %broadcast_in_dim3A_262 = vector.broadcast %jit3A_260 : i32 to vector<16xi32>
      %select_n3A_263 = arith.select %le3A_258, %broadcast_in_dim3A_261, %broadcast_in_dim3A_262 : vector<16xi1>, vector<16xi32>
      %add3A_264 = arith.addi %add3A_254, %select_n3A_263 : vector<16xi32>
      %slice3A_265 = vector.extract_strided_slice %masked_cumsum3A {offsets = [8], sizes = [1], strides = [1]} : vector<16xi32> to vector<1xi32>
      %squeeze3A_266 = vector.extract %slice3A_265[0] : i32 from vector<1xi32>
      %le3A_267 = vector.broadcast %squeeze3A_266 : i32 to vector<16xi32>
      %le3A_268 = arith.cmpi sle, %le3A_267, %mul3A_183 : vector<16xi32>
      %jit3A_269 = arith.constant 1 : i32
      %jit3A_270 = arith.constant 0 : i32
      %broadcast_in_dim3A_271 = vector.broadcast %jit3A_269 : i32 to vector<16xi32>
      %broadcast_in_dim3A_272 = vector.broadcast %jit3A_270 : i32 to vector<16xi32>
      %select_n3A_273 = arith.select %le3A_268, %broadcast_in_dim3A_271, %broadcast_in_dim3A_272 : vector<16xi1>, vector<16xi32>
      %add3A_274 = arith.addi %add3A_264, %select_n3A_273 : vector<16xi32>
      %slice3A_275 = vector.extract_strided_slice %masked_cumsum3A {offsets = [9], sizes = [1], strides = [1]} : vector<16xi32> to vector<1xi32>
      %squeeze3A_276 = vector.extract %slice3A_275[0] : i32 from vector<1xi32>
      %le3A_277 = vector.broadcast %squeeze3A_276 : i32 to vector<16xi32>
      %le3A_278 = arith.cmpi sle, %le3A_277, %mul3A_183 : vector<16xi32>
      %jit3A_279 = arith.constant 1 : i32
      %jit3A_280 = arith.constant 0 : i32
      %broadcast_in_dim3A_281 = vector.broadcast %jit3A_279 : i32 to vector<16xi32>
      %broadcast_in_dim3A_282 = vector.broadcast %jit3A_280 : i32 to vector<16xi32>
      %select_n3A_283 = arith.select %le3A_278, %broadcast_in_dim3A_281, %broadcast_in_dim3A_282 : vector<16xi1>, vector<16xi32>
      %add3A_284 = arith.addi %add3A_274, %select_n3A_283 : vector<16xi32>
      %slice3A_285 = vector.extract_strided_slice %masked_cumsum3A {offsets = [10], sizes = [1], strides = [1]} : vector<16xi32> to vector<1xi32>
      %squeeze3A_286 = vector.extract %slice3A_285[0] : i32 from vector<1xi32>
      %le3A_287 = vector.broadcast %squeeze3A_286 : i32 to vector<16xi32>
      %le3A_288 = arith.cmpi sle, %le3A_287, %mul3A_183 : vector<16xi32>
      %jit3A_289 = arith.constant 1 : i32
      %jit3A_290 = arith.constant 0 : i32
      %broadcast_in_dim3A_291 = vector.broadcast %jit3A_289 : i32 to vector<16xi32>
      %broadcast_in_dim3A_292 = vector.broadcast %jit3A_290 : i32 to vector<16xi32>
      %select_n3A_293 = arith.select %le3A_288, %broadcast_in_dim3A_291, %broadcast_in_dim3A_292 : vector<16xi1>, vector<16xi32>
      %add3A_294 = arith.addi %add3A_284, %select_n3A_293 : vector<16xi32>
      %slice3A_295 = vector.extract_strided_slice %masked_cumsum3A {offsets = [11], sizes = [1], strides = [1]} : vector<16xi32> to vector<1xi32>
      %squeeze3A_296 = vector.extract %slice3A_295[0] : i32 from vector<1xi32>
      %le3A_297 = vector.broadcast %squeeze3A_296 : i32 to vector<16xi32>
      %le3A_298 = arith.cmpi sle, %le3A_297, %mul3A_183 : vector<16xi32>
      %jit3A_299 = arith.constant 1 : i32
      %jit3A_300 = arith.constant 0 : i32
      %broadcast_in_dim3A_301 = vector.broadcast %jit3A_299 : i32 to vector<16xi32>
      %broadcast_in_dim3A_302 = vector.broadcast %jit3A_300 : i32 to vector<16xi32>
      %select_n3A_303 = arith.select %le3A_298, %broadcast_in_dim3A_301, %broadcast_in_dim3A_302 : vector<16xi1>, vector<16xi32>
      %add3A_304 = arith.addi %add3A_294, %select_n3A_303 : vector<16xi32>
      %slice3A_305 = vector.extract_strided_slice %masked_cumsum3A {offsets = [12], sizes = [1], strides = [1]} : vector<16xi32> to vector<1xi32>
      %squeeze3A_306 = vector.extract %slice3A_305[0] : i32 from vector<1xi32>
      %le3A_307 = vector.broadcast %squeeze3A_306 : i32 to vector<16xi32>
      %le3A_308 = arith.cmpi sle, %le3A_307, %mul3A_183 : vector<16xi32>
      %jit3A_309 = arith.constant 1 : i32
      %jit3A_310 = arith.constant 0 : i32
      %broadcast_in_dim3A_311 = vector.broadcast %jit3A_309 : i32 to vector<16xi32>
      %broadcast_in_dim3A_312 = vector.broadcast %jit3A_310 : i32 to vector<16xi32>
      %select_n3A_313 = arith.select %le3A_308, %broadcast_in_dim3A_311, %broadcast_in_dim3A_312 : vector<16xi1>, vector<16xi32>
      %add3A_314 = arith.addi %add3A_304, %select_n3A_313 : vector<16xi32>
      %slice3A_315 = vector.extract_strided_slice %masked_cumsum3A {offsets = [13], sizes = [1], strides = [1]} : vector<16xi32> to vector<1xi32>
      %squeeze3A_316 = vector.extract %slice3A_315[0] : i32 from vector<1xi32>
      %le3A_317 = vector.broadcast %squeeze3A_316 : i32 to vector<16xi32>
      %le3A_318 = arith.cmpi sle, %le3A_317, %mul3A_183 : vector<16xi32>
      %jit3A_319 = arith.constant 1 : i32
      %jit3A_320 = arith.constant 0 : i32
      %broadcast_in_dim3A_321 = vector.broadcast %jit3A_319 : i32 to vector<16xi32>
      %broadcast_in_dim3A_322 = vector.broadcast %jit3A_320 : i32 to vector<16xi32>
      %select_n3A_323 = arith.select %le3A_318, %broadcast_in_dim3A_321, %broadcast_in_dim3A_322 : vector<16xi1>, vector<16xi32>
      %add3A_324 = arith.addi %add3A_314, %select_n3A_323 : vector<16xi32>
      %slice3A_325 = vector.extract_strided_slice %masked_cumsum3A {offsets = [14], sizes = [1], strides = [1]} : vector<16xi32> to vector<1xi32>
      %squeeze3A_326 = vector.extract %slice3A_325[0] : i32 from vector<1xi32>
      %le3A_327 = vector.broadcast %squeeze3A_326 : i32 to vector<16xi32>
      %le3A_328 = arith.cmpi sle, %le3A_327, %mul3A_183 : vector<16xi32>
      %jit3A_329 = arith.constant 1 : i32
      %jit3A_330 = arith.constant 0 : i32
      %broadcast_in_dim3A_331 = vector.broadcast %jit3A_329 : i32 to vector<16xi32>
      %broadcast_in_dim3A_332 = vector.broadcast %jit3A_330 : i32 to vector<16xi32>
      %select_n3A_333 = arith.select %le3A_328, %broadcast_in_dim3A_331, %broadcast_in_dim3A_332 : vector<16xi1>, vector<16xi32>
      %add3A_334 = arith.addi %add3A_324, %select_n3A_333 : vector<16xi32>
      %slice3A_335 = vector.extract_strided_slice %masked_cumsum3A {offsets = [15], sizes = [1], strides = [1]} : vector<16xi32> to vector<1xi32>
      %squeeze3A_336 = vector.extract %slice3A_335[0] : i32 from vector<1xi32>
      %le3A_337 = vector.broadcast %squeeze3A_336 : i32 to vector<16xi32>
      %le3A_338 = arith.cmpi sle, %le3A_337, %mul3A_183 : vector<16xi32>
      %jit3A_339 = arith.constant 1 : i32
      %jit3A_340 = arith.constant 0 : i32
      %broadcast_in_dim3A_341 = vector.broadcast %jit3A_339 : i32 to vector<16xi32>
      %broadcast_in_dim3A_342 = vector.broadcast %jit3A_340 : i32 to vector<16xi32>
      %select_n3A_343 = arith.select %le3A_338, %broadcast_in_dim3A_341, %broadcast_in_dim3A_342 : vector<16xi1>, vector<16xi32>
      %add3A_344 = arith.addi %add3A_334, %select_n3A_343 : vector<16xi32>
      %min3A = arith.constant 15 : i32
      %min3A_345 = vector.broadcast %min3A : i32 to vector<16xi32>
      %min3A_346 = arith.minsi %add3A_344, %min3A_345 : vector<16xi32>
      %swap3A_347 = arith.constant 0 : index
      %swap3A_348 = tpu.vector_load %arg13[%swap3A_347] {strides = array<i32>} : memref<32xi32, #tpu.memory_space<vmem>>, vector<16xi32>,
      tpu.vector_store %arg13[%swap3A_347], %min3A_346 {strides = array<i32>} : memref<32xi32, #tpu.memory_space<vmem>>, vector<16xi32>,
      %lt3A_349 = vector.broadcast %select_n3A_177 : i32 to vector<16xi32>
      %lt3A_350 = arith.cmpi slt, %add3A_180, %lt3A_349 : vector<16xi32>
      %jit3A_351 = arith.constant 0 : i32
      %broadcast_in_dim3A_352 = vector.broadcast %jit3A_351 : i32 to vector<16xi32>
      %select_n3A_353 = arith.select %lt3A_350, %add3A_180, %broadcast_in_dim3A_352 : vector<16xi1>, vector<16xi32>
      %swap3A_354 = arith.constant 0 : index
      %swap3A_355 = tpu.vector_load %arg14[%swap3A_354] {strides = array<i32>} : memref<32xi32, #tpu.memory_space<vmem>>, vector<16xi32>,
      tpu.vector_store %arg14[%swap3A_354], %select_n3A_353 {strides = array<i32>} : memref<32xi32, #tpu.memory_space<vmem>>, vector<16xi32>,
      %jit3A_356 = arith.constant 23 : i32
      %broadcast_in_dim3A_357 = vector.broadcast %jit3A_356 : i32 to vector<16xi32>
      %select_n3A_358 = arith.select %lt3A_350, %add3A_180, %broadcast_in_dim3A_357 : vector<16xi1>, vector<16xi32>
      %swap3A_359 = arith.constant 0 : index
      %swap3A_360 = tpu.vector_load %arg15[%swap3A_359] {strides = array<i32>} : memref<32xi32, #tpu.memory_space<vmem>>, vector<16xi32>,
      tpu.vector_store %arg15[%swap3A_359], %select_n3A_358 {strides = array<i32>} : memref<32xi32, #tpu.memory_space<vmem>>, vector<16xi32>,
      %add3A_361 = arith.constant 16 : i32
      %add3A_362 = vector.broadcast %add3A_361 : i32 to vector<16xi32>
      %add3A_363 = arith.addi %iota3A, %add3A_362 : vector<16xi32>
      %mul3A_364 = arith.constant 256 : i32
      %mul3A_365 = vector.broadcast %mul3A_364 : i32 to vector<16xi32>
      %mul3A_366 = arith.muli %add3A_363, %mul3A_365 : vector<16xi32>
      %broadcast_in_dim3A_367 = arith.constant 0 : i32
      %broadcast_in_dim3A_368 = vector.broadcast %broadcast_in_dim3A_367 : i32 to vector<16xi32>
      %slice3A_369 = vector.extract_strided_slice %masked_cumsum3A {offsets = [0], sizes = [1], strides = [1]} : vector<16xi32> to vector<1xi32>
      %squeeze3A_370 = vector.extract %slice3A_369[0] : i32 from vector<1xi32>
      %le3A_371 = vector.broadcast %squeeze3A_370 : i32 to vector<16xi32>
      %le3A_372 = arith.cmpi sle, %le3A_371, %mul3A_366 : vector<16xi32>
      %jit3A_373 = arith.constant 1 : i32
      %jit3A_374 = arith.constant 0 : i32
      %broadcast_in_dim3A_375 = vector.broadcast %jit3A_373 : i32 to vector<16xi32>
      %broadcast_in_dim3A_376 = vector.broadcast %jit3A_374 : i32 to vector<16xi32>
      %select_n3A_377 = arith.select %le3A_372, %broadcast_in_dim3A_375, %broadcast_in_dim3A_376 : vector<16xi1>, vector<16xi32>
      %add3A_378 = arith.addi %broadcast_in_dim3A_368, %select_n3A_377 : vector<16xi32>
      %slice3A_379 = vector.extract_strided_slice %masked_cumsum3A {offsets = [1], sizes = [1], strides = [1]} : vector<16xi32> to vector<1xi32>
      %squeeze3A_380 = vector.extract %slice3A_379[0] : i32 from vector<1xi32>
      %le3A_381 = vector.broadcast %squeeze3A_380 : i32 to vector<16xi32>
      %le3A_382 = arith.cmpi sle, %le3A_381, %mul3A_366 : vector<16xi32>
      %jit3A_383 = arith.constant 1 : i32
      %jit3A_384 = arith.constant 0 : i32
      %broadcast_in_dim3A_385 = vector.broadcast %jit3A_383 : i32 to vector<16xi32>
      %broadcast_in_dim3A_386 = vector.broadcast %jit3A_384 : i32 to vector<16xi32>
      %select_n3A_387 = arith.select %le3A_382, %broadcast_in_dim3A_385, %broadcast_in_dim3A_386 : vector<16xi1>, vector<16xi32>
      %add3A_388 = arith.addi %add3A_378, %select_n3A_387 : vector<16xi32>
      %slice3A_389 = vector.extract_strided_slice %masked_cumsum3A {offsets = [2], sizes = [1], strides = [1]} : vector<16xi32> to vector<1xi32>
      %squeeze3A_390 = vector.extract %slice3A_389[0] : i32 from vector<1xi32>
      %le3A_391 = vector.broadcast %squeeze3A_390 : i32 to vector<16xi32>
      %le3A_392 = arith.cmpi sle, %le3A_391, %mul3A_366 : vector<16xi32>
      %jit3A_393 = arith.constant 1 : i32
      %jit3A_394 = arith.constant 0 : i32
      %broadcast_in_dim3A_395 = vector.broadcast %jit3A_393 : i32 to vector<16xi32>
      %broadcast_in_dim3A_396 = vector.broadcast %jit3A_394 : i32 to vector<16xi32>
      %select_n3A_397 = arith.select %le3A_392, %broadcast_in_dim3A_395, %broadcast_in_dim3A_396 : vector<16xi1>, vector<16xi32>
      %add3A_398 = arith.addi %add3A_388, %select_n3A_397 : vector<16xi32>
      %slice3A_399 = vector.extract_strided_slice %masked_cumsum3A {offsets = [3], sizes = [1], strides = [1]} : vector<16xi32> to vector<1xi32>
      %squeeze3A_400 = vector.extract %slice3A_399[0] : i32 from vector<1xi32>
      %le3A_401 = vector.broadcast %squeeze3A_400 : i32 to vector<16xi32>
      %le3A_402 = arith.cmpi sle, %le3A_401, %mul3A_366 : vector<16xi32>
      %jit3A_403 = arith.constant 1 : i32
      %jit3A_404 = arith.constant 0 : i32
      %broadcast_in_dim3A_405 = vector.broadcast %jit3A_403 : i32 to vector<16xi32>
      %broadcast_in_dim3A_406 = vector.broadcast %jit3A_404 : i32 to vector<16xi32>
      %select_n3A_407 = arith.select %le3A_402, %broadcast_in_dim3A_405, %broadcast_in_dim3A_406 : vector<16xi1>, vector<16xi32>
      %add3A_408 = arith.addi %add3A_398, %select_n3A_407 : vector<16xi32>
      %slice3A_409 = vector.extract_strided_slice %masked_cumsum3A {offsets = [4], sizes = [1], strides = [1]} : vector<16xi32> to vector<1xi32>
      %squeeze3A_410 = vector.extract %slice3A_409[0] : i32 from vector<1xi32>
      %le3A_411 = vector.broadcast %squeeze3A_410 : i32 to vector<16xi32>
      %le3A_412 = arith.cmpi sle, %le3A_411, %mul3A_366 : vector<16xi32>
      %jit3A_413 = arith.constant 1 : i32
      %jit3A_414 = arith.constant 0 : i32
      %broadcast_in_dim3A_415 = vector.broadcast %jit3A_413 : i32 to vector<16xi32>
      %broadcast_in_dim3A_416 = vector.broadcast %jit3A_414 : i32 to vector<16xi32>
      %select_n3A_417 = arith.select %le3A_412, %broadcast_in_dim3A_415, %broadcast_in_dim3A_416 : vector<16xi1>, vector<16xi32>
      %add3A_418 = arith.addi %add3A_408, %select_n3A_417 : vector<16xi32>
      %slice3A_419 = vector.extract_strided_slice %masked_cumsum3A {offsets = [5], sizes = [1], strides = [1]} : vector<16xi32> to vector<1xi32>
      %squeeze3A_420 = vector.extract %slice3A_419[0] : i32 from vector<1xi32>
      %le3A_421 = vector.broadcast %squeeze3A_420 : i32 to vector<16xi32>
      %le3A_422 = arith.cmpi sle, %le3A_421, %mul3A_366 : vector<16xi32>
      %jit3A_423 = arith.constant 1 : i32
      %jit3A_424 = arith.constant 0 : i32
      %broadcast_in_dim3A_425 = vector.broadcast %jit3A_423 : i32 to vector<16xi32>
      %broadcast_in_dim3A_426 = vector.broadcast %jit3A_424 : i32 to vector<16xi32>
      %select_n3A_427 = arith.select %le3A_422, %broadcast_in_dim3A_425, %broadcast_in_dim3A_426 : vector<16xi1>, vector<16xi32>
      %add3A_428 = arith.addi %add3A_418, %select_n3A_427 : vector<16xi32>
      %slice3A_429 = vector.extract_strided_slice %masked_cumsum3A {offsets = [6], sizes = [1], strides = [1]} : vector<16xi32> to vector<1xi32>
      %squeeze3A_430 = vector.extract %slice3A_429[0] : i32 from vector<1xi32>
      %le3A_431 = vector.broadcast %squeeze3A_430 : i32 to vector<16xi32>
      %le3A_432 = arith.cmpi sle, %le3A_431, %mul3A_366 : vector<16xi32>
      %jit3A_433 = arith.constant 1 : i32
      %jit3A_434 = arith.constant 0 : i32
      %broadcast_in_dim3A_435 = vector.broadcast %jit3A_433 : i32 to vector<16xi32>
      %broadcast_in_dim3A_436 = vector.broadcast %jit3A_434 : i32 to vector<16xi32>
      %select_n3A_437 = arith.select %le3A_432, %broadcast_in_dim3A_435, %broadcast_in_dim3A_436 : vector<16xi1>, vector<16xi32>
      %add3A_438 = arith.addi %add3A_428, %select_n3A_437 : vector<16xi32>
      %slice3A_439 = vector.extract_strided_slice %masked_cumsum3A {offsets = [7], sizes = [1], strides = [1]} : vector<16xi32> to vector<1xi32>
      %squeeze3A_440 = vector.extract %slice3A_439[0] : i32 from vector<1xi32>
      %le3A_441 = vector.broadcast %squeeze3A_440 : i32 to vector<16xi32>
      %le3A_442 = arith.cmpi sle, %le3A_441, %mul3A_366 : vector<16xi32>
      %jit3A_443 = arith.constant 1 : i32
      %jit3A_444 = arith.constant 0 : i32
      %broadcast_in_dim3A_445 = vector.broadcast %jit3A_443 : i32 to vector<16xi32>
      %broadcast_in_dim3A_446 = vector.broadcast %jit3A_444 : i32 to vector<16xi32>
      %select_n3A_447 = arith.select %le3A_442, %broadcast_in_dim3A_445, %broadcast_in_dim3A_446 : vector<16xi1>, vector<16xi32>
      %add3A_448 = arith.addi %add3A_438, %select_n3A_447 : vector<16xi32>
      %slice3A_449 = vector.extract_strided_slice %masked_cumsum3A {offsets = [8], sizes = [1], strides = [1]} : vector<16xi32> to vector<1xi32>
      %squeeze3A_450 = vector.extract %slice3A_449[0] : i32 from vector<1xi32>
      %le3A_451 = vector.broadcast %squeeze3A_450 : i32 to vector<16xi32>
      %le3A_452 = arith.cmpi sle, %le3A_451, %mul3A_366 : vector<16xi32>
      %jit3A_453 = arith.constant 1 : i32
      %jit3A_454 = arith.constant 0 : i32
      %broadcast_in_dim3A_455 = vector.broadcast %jit3A_453 : i32 to vector<16xi32>
      %broadcast_in_dim3A_456 = vector.broadcast %jit3A_454 : i32 to vector<16xi32>
      %select_n3A_457 = arith.select %le3A_452, %broadcast_in_dim3A_455, %broadcast_in_dim3A_456 : vector<16xi1>, vector<16xi32>
      %add3A_458 = arith.addi %add3A_448, %select_n3A_457 : vector<16xi32>
      %slice3A_459 = vector.extract_strided_slice %masked_cumsum3A {offsets = [9], sizes = [1], strides = [1]} : vector<16xi32> to vector<1xi32>
      %squeeze3A_460 = vector.extract %slice3A_459[0] : i32 from vector<1xi32>
      %le3A_461 = vector.broadcast %squeeze3A_460 : i32 to vector<16xi32>
      %le3A_462 = arith.cmpi sle, %le3A_461, %mul3A_366 : vector<16xi32>
      %jit3A_463 = arith.constant 1 : i32
      %jit3A_464 = arith.constant 0 : i32
      %broadcast_in_dim3A_465 = vector.broadcast %jit3A_463 : i32 to vector<16xi32>
      %broadcast_in_dim3A_466 = vector.broadcast %jit3A_464 : i32 to vector<16xi32>
      %select_n3A_467 = arith.select %le3A_462, %broadcast_in_dim3A_465, %broadcast_in_dim3A_466 : vector<16xi1>, vector<16xi32>
      %add3A_468 = arith.addi %add3A_458, %select_n3A_467 : vector<16xi32>
      %slice3A_469 = vector.extract_strided_slice %masked_cumsum3A {offsets = [10], sizes = [1], strides = [1]} : vector<16xi32> to vector<1xi32>
      %squeeze3A_470 = vector.extract %slice3A_469[0] : i32 from vector<1xi32>
      %le3A_471 = vector.broadcast %squeeze3A_470 : i32 to vector<16xi32>
      %le3A_472 = arith.cmpi sle, %le3A_471, %mul3A_366 : vector<16xi32>
      %jit3A_473 = arith.constant 1 : i32
      %jit3A_474 = arith.constant 0 : i32
      %broadcast_in_dim3A_475 = vector.broadcast %jit3A_473 : i32 to vector<16xi32>
      %broadcast_in_dim3A_476 = vector.broadcast %jit3A_474 : i32 to vector<16xi32>
      %select_n3A_477 = arith.select %le3A_472, %broadcast_in_dim3A_475, %broadcast_in_dim3A_476 : vector<16xi1>, vector<16xi32>
      %add3A_478 = arith.addi %add3A_468, %select_n3A_477 : vector<16xi32>
      %slice3A_479 = vector.extract_strided_slice %masked_cumsum3A {offsets = [11], sizes = [1], strides = [1]} : vector<16xi32> to vector<1xi32>
      %squeeze3A_480 = vector.extract %slice3A_479[0] : i32 from vector<1xi32>
      %le3A_481 = vector.broadcast %squeeze3A_480 : i32 to vector<16xi32>
      %le3A_482 = arith.cmpi sle, %le3A_481, %mul3A_366 : vector<16xi32>
      %jit3A_483 = arith.constant 1 : i32
      %jit3A_484 = arith.constant 0 : i32
      %broadcast_in_dim3A_485 = vector.broadcast %jit3A_483 : i32 to vector<16xi32>
      %broadcast_in_dim3A_486 = vector.broadcast %jit3A_484 : i32 to vector<16xi32>
      %select_n3A_487 = arith.select %le3A_482, %broadcast_in_dim3A_485, %broadcast_in_dim3A_486 : vector<16xi1>, vector<16xi32>
      %add3A_488 = arith.addi %add3A_478, %select_n3A_487 : vector<16xi32>
      %slice3A_489 = vector.extract_strided_slice %masked_cumsum3A {offsets = [12], sizes = [1], strides = [1]} : vector<16xi32> to vector<1xi32>
      %squeeze3A_490 = vector.extract %slice3A_489[0] : i32 from vector<1xi32>
      %le3A_491 = vector.broadcast %squeeze3A_490 : i32 to vector<16xi32>
      %le3A_492 = arith.cmpi sle, %le3A_491, %mul3A_366 : vector<16xi32>
      %jit3A_493 = arith.constant 1 : i32
      %jit3A_494 = arith.constant 0 : i32
      %broadcast_in_dim3A_495 = vector.broadcast %jit3A_493 : i32 to vector<16xi32>
      %broadcast_in_dim3A_496 = vector.broadcast %jit3A_494 : i32 to vector<16xi32>
      %select_n3A_497 = arith.select %le3A_492, %broadcast_in_dim3A_495, %broadcast_in_dim3A_496 : vector<16xi1>, vector<16xi32>
      %add3A_498 = arith.addi %add3A_488, %select_n3A_497 : vector<16xi32>
      %slice3A_499 = vector.extract_strided_slice %masked_cumsum3A {offsets = [13], sizes = [1], strides = [1]} : vector<16xi32> to vector<1xi32>
      %squeeze3A_500 = vector.extract %slice3A_499[0] : i32 from vector<1xi32>
      %le3A_501 = vector.broadcast %squeeze3A_500 : i32 to vector<16xi32>
      %le3A_502 = arith.cmpi sle, %le3A_501, %mul3A_366 : vector<16xi32>
      %jit3A_503 = arith.constant 1 : i32
      %jit3A_504 = arith.constant 0 : i32
      %broadcast_in_dim3A_505 = vector.broadcast %jit3A_503 : i32 to vector<16xi32>
      %broadcast_in_dim3A_506 = vector.broadcast %jit3A_504 : i32 to vector<16xi32>
      %select_n3A_507 = arith.select %le3A_502, %broadcast_in_dim3A_505, %broadcast_in_dim3A_506 : vector<16xi1>, vector<16xi32>
      %add3A_508 = arith.addi %add3A_498, %select_n3A_507 : vector<16xi32>
      %slice3A_509 = vector.extract_strided_slice %masked_cumsum3A {offsets = [14], sizes = [1], strides = [1]} : vector<16xi32> to vector<1xi32>
      %squeeze3A_510 = vector.extract %slice3A_509[0] : i32 from vector<1xi32>
      %le3A_511 = vector.broadcast %squeeze3A_510 : i32 to vector<16xi32>
      %le3A_512 = arith.cmpi sle, %le3A_511, %mul3A_366 : vector<16xi32>
      %jit3A_513 = arith.constant 1 : i32
      %jit3A_514 = arith.constant 0 : i32
      %broadcast_in_dim3A_515 = vector.broadcast %jit3A_513 : i32 to vector<16xi32>
      %broadcast_in_dim3A_516 = vector.broadcast %jit3A_514 : i32 to vector<16xi32>
      %select_n3A_517 = arith.select %le3A_512, %broadcast_in_dim3A_515, %broadcast_in_dim3A_516 : vector<16xi1>, vector<16xi32>
      %add3A_518 = arith.addi %add3A_508, %select_n3A_517 : vector<16xi32>
      %slice3A_519 = vector.extract_strided_slice %masked_cumsum3A {offsets = [15], sizes = [1], strides = [1]} : vector<16xi32> to vector<1xi32>
      %squeeze3A_520 = vector.extract %slice3A_519[0] : i32 from vector<1xi32>
      %le3A_521 = vector.broadcast %squeeze3A_520 : i32 to vector<16xi32>
      %le3A_522 = arith.cmpi sle, %le3A_521, %mul3A_366 : vector<16xi32>
      %jit3A_523 = arith.constant 1 : i32
      %jit3A_524 = arith.constant 0 : i32
      %broadcast_in_dim3A_525 = vector.broadcast %jit3A_523 : i32 to vector<16xi32>
      %broadcast_in_dim3A_526 = vector.broadcast %jit3A_524 : i32 to vector<16xi32>
      %select_n3A_527 = arith.select %le3A_522, %broadcast_in_dim3A_525, %broadcast_in_dim3A_526 : vector<16xi1>, vector<16xi32>
      %add3A_528 = arith.addi %add3A_518, %select_n3A_527 : vector<16xi32>
      %min3A_529 = arith.constant 15 : i32
      %min3A_530 = vector.broadcast %min3A_529 : i32 to vector<16xi32>
      %min3A_531 = arith.minsi %add3A_528, %min3A_530 : vector<16xi32>
      %swap3A_532 = arith.constant 16 : index
      %swap3A_533 = tpu.vector_load %arg13[%swap3A_532] {strides = array<i32>} : memref<32xi32, #tpu.memory_space<vmem>>, vector<16xi32>,
      tpu.vector_store %arg13[%swap3A_532], %min3A_531 {strides = array<i32>} : memref<32xi32, #tpu.memory_space<vmem>>, vector<16xi32>,
      %lt3A_534 = vector.broadcast %select_n3A_177 : i32 to vector<16xi32>
      %lt3A_535 = arith.cmpi slt, %add3A_363, %lt3A_534 : vector<16xi32>
      %jit3A_536 = arith.constant 0 : i32
      %broadcast_in_dim3A_537 = vector.broadcast %jit3A_536 : i32 to vector<16xi32>
      %select_n3A_538 = arith.select %lt3A_535, %add3A_363, %broadcast_in_dim3A_537 : vector<16xi1>, vector<16xi32>
      %swap3A_539 = arith.constant 16 : index
      %swap3A_540 = tpu.vector_load %arg14[%swap3A_539] {strides = array<i32>} : memref<32xi32, #tpu.memory_space<vmem>>, vector<16xi32>,
      tpu.vector_store %arg14[%swap3A_539], %select_n3A_538 {strides = array<i32>} : memref<32xi32, #tpu.memory_space<vmem>>, vector<16xi32>,
      %jit3A_541 = arith.constant 23 : i32
      %broadcast_in_dim3A_542 = vector.broadcast %jit3A_541 : i32 to vector<16xi32>
      %select_n3A_543 = arith.select %lt3A_535, %add3A_363, %broadcast_in_dim3A_542 : vector<16xi1>, vector<16xi32>
      %swap3A_544 = arith.constant 16 : index
      %swap3A_545 = tpu.vector_load %arg15[%swap3A_544] {strides = array<i32>} : memref<32xi32, #tpu.memory_space<vmem>>, vector<16xi32>,
      tpu.vector_store %arg15[%swap3A_544], %select_n3A_543 {strides = array<i32>} : memref<32xi32, #tpu.memory_space<vmem>>, vector<16xi32>,
      "tpu.region"() ({
        %run_scoped3A = tpu.sem_alloc : memref<!tpu.dma_semaphore, #tpu.memory_space<semaphore_mem>>
        tpu.enqueue_dma source(%arg13 : memref<32xi32, #tpu.memory_space<vmem>>) target(%arg7 : memref<32xi32, #tpu.memory_space<hbm>>) target_semaphore(%run_scoped3A : memref<!tpu.dma_semaphore, #tpu.memory_space<semaphore_mem>>)
        tpu.wait_dma2 semaphore(%run_scoped3A : memref<!tpu.dma_semaphore, #tpu.memory_space<semaphore_mem>>) src(%arg13 : memref<32xi32, #tpu.memory_space<vmem>>) dst(%arg7 : memref<32xi32, #tpu.memory_space<hbm>>)
        tpu.yield
      }) : () -> ()
      "tpu.region"() ({
        %run_scoped3A = tpu.sem_alloc : memref<!tpu.dma_semaphore, #tpu.memory_space<semaphore_mem>>
        tpu.enqueue_dma source(%arg14 : memref<32xi32, #tpu.memory_space<vmem>>) target(%arg8 : memref<32xi32, #tpu.memory_space<hbm>>) target_semaphore(%run_scoped3A : memref<!tpu.dma_semaphore, #tpu.memory_space<semaphore_mem>>)
        tpu.wait_dma2 semaphore(%run_scoped3A : memref<!tpu.dma_semaphore, #tpu.memory_space<semaphore_mem>>) src(%arg14 : memref<32xi32, #tpu.memory_space<vmem>>) dst(%arg8 : memref<32xi32, #tpu.memory_space<hbm>>)
        tpu.yield
      }) : () -> ()
      "tpu.region"() ({
        %run_scoped3A = tpu.sem_alloc : memref<!tpu.dma_semaphore, #tpu.memory_space<semaphore_mem>>
        tpu.enqueue_dma source(%arg15 : memref<32xi32, #tpu.memory_space<vmem>>) target(%arg9 : memref<32xi32, #tpu.memory_space<hbm>>) target_semaphore(%run_scoped3A : memref<!tpu.dma_semaphore, #tpu.memory_space<semaphore_mem>>)
        tpu.wait_dma2 semaphore(%run_scoped3A : memref<!tpu.dma_semaphore, #tpu.memory_space<semaphore_mem>>) src(%arg15 : memref<32xi32, #tpu.memory_space<vmem>>) dst(%arg9 : memref<32xi32, #tpu.memory_space<hbm>>)
        tpu.yield
      }) : () -> ()
    } else {
    }
    return
  }
}

module attributes {stable_mosaic.version = 14 : i64} {
  func.func @_mlp_body(%arg0: i32, %arg1: memref<32xi32, #tpu.memory_space<smem>>, %arg2: memref<32xi32, #tpu.memory_space<smem>>, %arg3: memref<32xi32, #tpu.memory_space<smem>>, %arg4: memref<256x768xf32, #tpu.memory_space<vmem>>, %arg5: memref<1x192x768xbf16, #tpu.memory_space<vmem>>, %arg6: memref<1x192x768xbf16, #tpu.memory_space<vmem>>, %arg7: memref<1x192x768xbf16, #tpu.memory_space<vmem>>, %arg8: memref<256x768xf32, #tpu.memory_space<vmem>>) attributes {dimension_semantics = [#tpu.dimension_semantics<arbitrary>], iteration_bounds = array<i64: 24>, scalar_prefetch = 3 : i64, scratch_operands = 0 : i64, tpu.core_type = #tpu.core_type<tc>, window_params = [{transform_indices = @transform_0, window_bounds = array<i64: 256, 768>}, {transform_indices = @transform_1, window_bounds = array<i64: 1, 192, 768>}, {transform_indices = @transform_2, window_bounds = array<i64: 1, 192, 768>}, {transform_indices = @transform_3, window_bounds = array<i64: 1, 192, 768>}, {transform_indices = @transform_4, window_bounds = array<i64: 256, 768>}]} {
    %get3A = arith.index_cast %arg0 : i32 to index
    %get3A_0 = memref.load %arg3[%get3A] : memref<32xi32, #tpu.memory_space<smem>>
    %ne3A = arith.constant 23 : i32
    %ne3A_1 = arith.cmpi ne, %get3A_0, %ne3A : i32
    %eq3A = arith.constant 0 : i32
    %eq3A_2 = arith.cmpi eq, %arg0, %eq3A : i32
    %or3A = arith.ori %ne3A_1, %eq3A_2 : i1
    %convert_element_type3A = arith.extui %or3A : i1 to i32
    %cond3A = arith.constant 0 : i32
    %cond3A_3 = arith.cmpi ne, %convert_element_type3A, %cond3A : i32
    scf.if %cond3A_3 {
      %get3A_4 = arith.constant 0 : index
      %get3A_5 = arith.constant 0 : index
      %get3A_6 = vector.load %arg4[%get3A_4, %get3A_5] : memref<256x768xf32, #tpu.memory_space<vmem>>, vector<256x768xf32>
      %convert_element_type3A_7 = arith.truncf %get3A_6 : vector<256x768xf32> to vector<256x768xbf16>
      %get3A_8 = arith.constant 0 : index
      %get3A_9 = arith.constant 0 : index
      %get3A_10 = arith.constant 0 : index
      %get3A_11 = vector.load %arg5[%get3A_8, %get3A_9, %get3A_10] : memref<1x192x768xbf16, #tpu.memory_space<vmem>>, vector<1x192x768xbf16>
      %get3A_12 = vector.shape_cast %get3A_11 : vector<1x192x768xbf16> to vector<192x768xbf16>
      %dot_general3A = arith.constant dense<0.000000e+00> : vector<256x192xf32>
      %dot_general3A_13 = tpu.matmul %convert_element_type3A_7, %get3A_12, %dot_general3A {dimension_numbers = #tpu.dot_dimension_numbers<[1], [1], [0], [0], [0, 0, 1, 0], [], []>, transpose_lhs_hint = false} : vector<256x768xbf16>, vector<192x768xbf16>, vector<256x192xf32> -> vector<256x192xf32>
      %get3A_14 = arith.constant 0 : index
      %get3A_15 = arith.constant 0 : index
      %get3A_16 = arith.constant 0 : index
      %get3A_17 = vector.load %arg6[%get3A_14, %get3A_15, %get3A_16] : memref<1x192x768xbf16, #tpu.memory_space<vmem>>, vector<1x192x768xbf16>
      %get3A_18 = vector.shape_cast %get3A_17 : vector<1x192x768xbf16> to vector<192x768xbf16>
      %dot_general3A_19 = arith.constant dense<0.000000e+00> : vector<256x192xf32>
      %dot_general3A_20 = tpu.matmul %convert_element_type3A_7, %get3A_18, %dot_general3A_19 {dimension_numbers = #tpu.dot_dimension_numbers<[1], [1], [0], [0], [0, 0, 1, 0], [], []>, transpose_lhs_hint = false} : vector<256x768xbf16>, vector<192x768xbf16>, vector<256x192xf32> -> vector<256x192xf32>
      %logistic3A = arith.negf %dot_general3A_13 : vector<256x192xf32>
      %logistic3A_21 = math.exp %logistic3A : vector<256x192xf32>
      %logistic3A_22 = arith.constant 1.000000e+00 : f32
      %logistic3A_23 = vector.broadcast %logistic3A_22 : f32 to vector<256x192xf32>
      %logistic3A_24 = arith.addf %logistic3A_23, %logistic3A_21 : vector<256x192xf32>
      %logistic3A_25 = arith.divf %logistic3A_23, %logistic3A_24 : vector<256x192xf32>
      %mul3A = arith.mulf %dot_general3A_13, %logistic3A_25 : vector<256x192xf32>
      %mul3A_26 = arith.mulf %mul3A, %dot_general3A_20 : vector<256x192xf32>
      %convert_element_type3A_27 = arith.truncf %mul3A_26 : vector<256x192xf32> to vector<256x192xbf16>
      %get3A_28 = arith.constant 0 : index
      %get3A_29 = arith.constant 0 : index
      %get3A_30 = arith.constant 0 : index
      %get3A_31 = vector.load %arg7[%get3A_28, %get3A_29, %get3A_30] : memref<1x192x768xbf16, #tpu.memory_space<vmem>>, vector<1x192x768xbf16>
      %get3A_32 = vector.shape_cast %get3A_31 : vector<1x192x768xbf16> to vector<192x768xbf16>
      %dot_general3A_33 = arith.constant dense<0.000000e+00> : vector<256x768xf32>
      %dot_general3A_34 = tpu.matmul %convert_element_type3A_27, %get3A_32, %dot_general3A_33 {dimension_numbers = #tpu.dot_dimension_numbers<[1], [0], [0], [1], [0, 0, 1, 1], [], []>, transpose_lhs_hint = false} : vector<256x192xbf16>, vector<192x768xbf16>, vector<256x768xf32> -> vector<256x768xf32>
      %swap3A = arith.constant 0 : index
      %swap3A_35 = arith.constant 0 : index
      %swap3A_36 = vector.load %arg8[%swap3A, %swap3A_35] : memref<256x768xf32, #tpu.memory_space<vmem>>, vector<256x768xf32>
      tpu.vector_store %arg8[%swap3A, %swap3A_35], %dot_general3A_34 {strides = array<i32>} : memref<256x768xf32, #tpu.memory_space<vmem>>, vector<256x768xf32>,
    } else {
    }
    return
  }
  func.func @transform_0(%arg0: i32, %arg1: memref<32xi32, #tpu.memory_space<smem>>, %arg2: memref<32xi32, #tpu.memory_space<smem>>, %arg3: memref<32xi32, #tpu.memory_space<smem>>) -> (i32, i32) {
    %get3A = arith.index_cast %arg0 : i32 to index
    %get3A_0 = memref.load %arg2[%get3A] : memref<32xi32, #tpu.memory_space<smem>>
    %c0_i32 = arith.constant 0 : i32
    %c0_i32_1 = arith.constant 0 : i32
    return %get3A_0, %c0_i32 : i32, i32
  }
  func.func @transform_1(%arg0: i32, %arg1: memref<32xi32, #tpu.memory_space<smem>>, %arg2: memref<32xi32, #tpu.memory_space<smem>>, %arg3: memref<32xi32, #tpu.memory_space<smem>>) -> (i32, i32, i32) {
    %get3A = arith.index_cast %arg0 : i32 to index
    %get3A_0 = memref.load %arg1[%get3A] : memref<32xi32, #tpu.memory_space<smem>>
    %c0_i32 = arith.constant 0 : i32
    %c0_i32_1 = arith.constant 0 : i32
    %c0_i32_2 = arith.constant 0 : i32
    return %get3A_0, %c0_i32, %c0_i32_1 : i32, i32, i32
  }
  func.func @transform_2(%arg0: i32, %arg1: memref<32xi32, #tpu.memory_space<smem>>, %arg2: memref<32xi32, #tpu.memory_space<smem>>, %arg3: memref<32xi32, #tpu.memory_space<smem>>) -> (i32, i32, i32) {
    %get3A = arith.index_cast %arg0 : i32 to index
    %get3A_0 = memref.load %arg1[%get3A] : memref<32xi32, #tpu.memory_space<smem>>
    %c0_i32 = arith.constant 0 : i32
    %c0_i32_1 = arith.constant 0 : i32
    %c0_i32_2 = arith.constant 0 : i32
    return %get3A_0, %c0_i32, %c0_i32_1 : i32, i32, i32
  }
  func.func @transform_3(%arg0: i32, %arg1: memref<32xi32, #tpu.memory_space<smem>>, %arg2: memref<32xi32, #tpu.memory_space<smem>>, %arg3: memref<32xi32, #tpu.memory_space<smem>>) -> (i32, i32, i32) {
    %get3A = arith.index_cast %arg0 : i32 to index
    %get3A_0 = memref.load %arg1[%get3A] : memref<32xi32, #tpu.memory_space<smem>>
    %c0_i32 = arith.constant 0 : i32
    %c0_i32_1 = arith.constant 0 : i32
    %c0_i32_2 = arith.constant 0 : i32
    return %get3A_0, %c0_i32, %c0_i32_1 : i32, i32, i32
  }
  func.func @transform_4(%arg0: i32, %arg1: memref<32xi32, #tpu.memory_space<smem>>, %arg2: memref<32xi32, #tpu.memory_space<smem>>, %arg3: memref<32xi32, #tpu.memory_space<smem>>) -> (i32, i32) {
    %get3A = arith.index_cast %arg0 : i32 to index
    %get3A_0 = memref.load %arg3[%get3A] : memref<32xi32, #tpu.memory_space<smem>>
    %c0_i32 = arith.constant 0 : i32
    %c0_i32_1 = arith.constant 0 : i32
    return %get3A_0, %c0_i32 : i32, i32
  }
}

</mosaic_0001>

<sc_bundles>
// kernel: kernel.12.cloned.1.call-start
scs
__scs_entry_jumppad:
0x0: {  	(pc) =	sbr.rel $0x88, $3  }
0x1: {  	(tag) =	ssettag $0x0;
	lr =	simm.s32 $0x1  }
0x2: {  	[smem:$0x3F9B] =	sst lr;
	_ =	strace $0xD0000000  }
0x3: {  	_ = 	snop  }
0x4: {  	_ = 	snop  }
0x5: {  	_ = 	snop  }
0x6: {  	_ = 	snop  }
0x7: {  	_ = 	snop  }
__scs_overlays_trampoline_lowered:
0x8: {  	[smem:$0x3FAA] =	sst s0  }
0x9: {  	[smem:$0x3FAB] =	sst s1  }
0xa: {  	[smem:$0x3FAC] =	sst s2  }
0xb: {  	[smem:$0x3FAD] =	sst s3  }
0xc: {  	[smem:$0x3FAE] =	sst s4  }
0xd: {  	[smem:$0x3FAF] =	sst s5  }
0xe: {  	[smem:$0x3FB0] =	sst s6  }
0xf: {  	[smem:$0x3FB1] =	sst s7  }
0x10: {  	[smem:$0x3FB2] =	sst s8  }
0x11: {  	[smem:$0x3FB3] =	sst s9;
	s0 =	simm.s32 @!p0 $0x0  }
0x12: {  	s1 =	sld [smem:$0x3F99];
	s0 =	simm.s32 @p0 $0x1  }
0x13: {  	[smem:$0x3FB4] =	sst s0;
	s0 =	simm.s32 @!p1 $0x0  }
0x14: {  	s2 =	sld [smem:$0x3F98];
	s0 =	simm.s32 @p1 $0x1  }
0x15: {  	[smem:$0x3FB5] =	sst s0;
	s0 =	simm.s32 @!p2 $0x0  }
0x16: {  	s3 =	sld [smem:$0x3FDB];
	s0 =	simm.s32 @p2 $0x1  }
0x17: {  	s4 =	simm.s32 $0x1BF5;
	[smem:$0x3FB7] =	sst s0  }
0x18: {  	s0 =	sld [smem:$0x3F9A];
	_ =	swait.ge [sflag:s4], $0x0  }
0x19: {  	s7 =	sld [smem:$0x3F9B]  }
0x1a: {  	s8 =	sadd.s32 $0xFFFFE003, lr  }
0x1b: {  	s9 =	sadd.s32 $0xFFFFFEF7, lr;
	s5 =	simm.s32 $0xFFFFFFFF;
	p2 =	slt.u32 s8, $0xFFFFF086  }
0x1c: {  	p1 =	slt.u32 s9, $0xF7A;
	s5 =	simm.s32 @!p2 $0x0  }
0x1d: {  	s5 =	simm.s32 @p1 $0x1;
	p0 =	seq.s32 s7, s2  }
0x1e: {  	s7 =	smul.u32 @!p0 $0xF7A, s2;
	p2 =	seq.s32 @!p0 s5, $0x0  }
0x1f: {  	s9 =	smul.u32 $0xF7A, s1;
	s8 =	simm.s32 @!p0 $0x1BF5;
	p2 =	por !p2, p0  }
0x20: {  	[sflag:s8] =	ssyncset.s32 @!p0 $0xFFFFF086;
	s6 =	sadd.s32 @!p0 s3, s7;
	s7 =	simm.s32 @!p0 $0x108  }
0x21: {  	s3 =	sadd.s32 s3, s9;
	s6 =	sadd.s32 @!p0 $0x88, s6;
	s7 =	simm.s32 @p2 $0x1082  }
0x22: {  	[simem:s7], [sflag:s8] =	dma.local @!p0 [hbm:s6], $0xF7A  }
0x23: {  	s9 =	sor.u32 $0xD0000000, s2;
	s6 =	simm.s32 $0x108;
	_ =	swait.ge @!p0 [sflag:s8], $0x0  }
0x24: {  	s3 =	sadd.s32 $0x88, s3;
	s6 =	simm.s32 @!p1 $0x1082;
	[sflag:s4] =	ssyncset.s32 $0xFFFFF086  }
0x25: {  	[simem:s6], [sflag:s4] =	dma.local [hbm:s3], $0xF7A  }
0x26: {  	[smem:$0x3F9B] =	sst s1;
	(tag) =	ssettag s2;
	_ =	strace s9  }
0x27: {  	s1 =	sld [smem:$0x3FAB]  }
0x28: {  	s2 =	sld [smem:$0x3FAC]  }
0x29: {  	s4 =	sld [smem:$0x3FAE]  }
0x2a: {  	p0 =	seq.s32 s5, $0x0;
	s5 =	sld [smem:$0x3FAF]  }
0x2b: {  	s6 =	sld [smem:$0x3FB0]  }
0x2c: {  	s7 =	sld [smem:$0x3FB1]  }
0x2d: {  	s3 =	simm.s32 $0x108;
	s8 =	sld [smem:$0x3FB2]  }
0x2e: {  	s3 =	simm.s32 @!p0 $0x1082;
	s9 =	sld [smem:$0x3FB3]  }
0x2f: {  	lr =	sadd.s32 s0, s3;
	s0 =	sld [smem:$0x3FAA]  }
0x30: {  	s3 =	sld [smem:$0x3FAD]  }
0x31: {  	[smem:$0x3FB6] =	sst s10  }
0x32: {  	s10 =	sld [smem:$0x3FB4];
	_ =	sdelay $0x3  }
0x33: {  	p0 =	seq.s32 s10, $0x1;
	s10 =	sld [smem:$0x3FB6];
	_ =	sdelay $0x3  }
0x34: {  	[smem:$0x3FB6] =	sst s10  }
0x35: {  	s10 =	sld [smem:$0x3FB5];
	_ =	sdelay $0x3  }
0x36: {  	p1 =	seq.s32 s10, $0x1;
	s10 =	sld [smem:$0x3FB6];
	_ =	sdelay $0x3  }
0x37: {  	[smem:$0x3FB6] =	sst s10  }
0x38: {  	s10 =	sld [smem:$0x3FB7]  }
0x39: {  	_ = 	snop;
	(pc) =	sbr.ind lr, $3  }
0x3a: {  	_ = 	snop  }
0x3b: {  	_ = 	snop  }
0x3c: {  	p2 =	seq.s32 s10, $0x1;
	s10 =	sld [smem:$0x3FB6]  }
0x3d: {  	_ =	shalt  }
0x3e: {  	_ =	shalt  }
0x3f: {  	_ =	shalt  }
0x40: {  	_ =	shalt  }
0x41: {  	_ =	shalt  }
0x42: {  	_ =	shalt  }
0x43: {  	_ =	shalt  }
0x44: {  	_ =	shalt  }
0x45: {  	_ =	shalt  }
0x46: {  	_ =	shalt  }
0x47: {  	_ =	shalt  }
0x48: {  	_ =	shalt  }
0x49: {  	_ =	shalt  }
0x4a: {  	_ =	shalt  }
0x4b: {  	_ =	shalt  }
0x4c: {  	_ =	shalt  }
0x4d: {  	_ =	shalt  }
0x4e: {  	_ =	shalt  }
0x4f: {  	_ =	shalt  }
0x50: {  	_ =	shalt  }
0x51: {  	_ =	shalt  }
0x52: {  	_ =	shalt  }
0x53: {  	_ =	shalt  }
0x54: {  	_ =	shalt  }
0x55: {  	_ =	shalt  }
0x56: {  	_ =	shalt  }
0x57: {  	_ =	shalt  }
0x58: {  	_ =	shalt  }
0x59: {  	_ =	shalt  }
0x5a: {  	_ =	shalt  }
0x5b: {  	_ =	shalt  }
0x5c: {  	_ =	shalt  }
0x5d: {  	_ =	shalt  }
0x5e: {  	_ =	shalt  }
0x5f: {  	_ =	shalt  }
0x60: {  	_ =	shalt  }
0x61: {  	_ =	shalt  }
0x62: {  	_ =	shalt  }
0x63: {  	_ =	shalt  }
0x64: {  	_ =	shalt  }
0x65: {  	_ =	shalt  }
0x66: {  	_ =	shalt  }
0x67: {  	_ =	shalt  }
0x68: {  	_ =	shalt  }
0x69: {  	_ =	shalt  }
0x6a: {  	_ =	shalt  }
0x6b: {  	_ =	shalt  }
0x6c: {  	_ =	shalt  }
0x6d: {  	_ =	shalt  }
0x6e: {  	_ =	shalt  }
0x6f: {  	_ =	shalt  }
0x70: {  	_ =	shalt  }
0x71: {  	_ =	shalt  }
0x72: {  	_ =	shalt  }
0x73: {  	_ =	shalt  }
0x74: {  	_ =	shalt  }
0x75: {  	_ =	shalt  }
0x76: {  	_ =	shalt  }
0x77: {  	_ =	shalt  }
0x78: {  	_ =	shalt  }
0x79: {  	_ =	shalt  }
0x7a: {  	_ =	shalt  }
0x7b: {  	_ =	shalt  }
0x7c: {  	_ =	shalt  }
0x7d: {  	_ =	shalt  }
0x7e: {  	_ =	shalt  }
0x7f: {  	_ =	shalt  }
0x80: {  	_ =	shalt  }
0x81: {  	_ =	shalt  }
0x82: {  	_ =	shalt  }
0x83: {  	_ =	shalt  }
0x84: {  	_ =	shalt  }
0x85: {  	_ =	shalt  }
0x86: {  	_ =	shalt  }
0x87: {  	_ =	shalt  }
.Lfunc_end0:
.L_simem_size_0:
called_computation.2_lowered:
.L_overlay_start_0:
0x88: {  	s2 =	sld [smem:$0x3FD9]  }
0x89: {  	s3 =	sld [smem:$0x3FFE];
	_ =	sdelay $0x1  }
0x8a: {  	s1 =	srdreg.scid  }
0x8b: {  	s0 =	sand.u32 $0x1, s1  }
0x8c: {  	s17 =	sshll.u32 s0, $0xA;
	s2 =	sadd.s32 s3, s2  }
0x8d: {  	s2 =	sadd.s32 s2, s17  }
0x8e: {  	[smem:$0x3FC2] =	sst s2  }
0x8f: {  	_ = 	snop  }
0x90: {  	s2 =	sld [smem:$0x3FD0];
	(tm) =	ssettm $0x1  }
0x91: {  	s18 =	sld [smem:$0x3FFB];
	_ =	sdelay $0x3  }
0x92: {  	_ =	strace s18  }
0x93: {  	s3 =	sld [smem:$0x3FFC];
	_ =	sdelay $0x3  }
0x94: {  	_ =	strace s3  }
0x95: {  	s3 =	sld [smem:$0x3FFD];
	_ =	sdelay $0x3  }
0x96: {  	_ =	strace s3  }
0x97: {  	_ =	strace $0x8FFFFFFF  }
0x98: {  	s19 =	sld [smem:$0x3FDB];
	_ =	sdelay $0x1  }
0x99: {  	s4 =	simm.s32 $_scs_section_size  }
0x9a: {  	s5 =	simm.s32 $_size__tile_overlayer_lowered;
	s6 =	simm.s32 $_tile_overlayer_lowered  }
0x9b: {  	s22 =	simm.s32 $0x1BFF;
	s21 =	sshll.u32 s6, $0x1;
	s3 =	sadd.s32 s4, s19  }
0x9c: {  	s7 =	simm.s32 $0x0;
	s20 =	sshll.u32 s5, $0x1;
	s5 =	sadd.s32 s21, s3  }
0x9d: {  	[timem:s7], [sflag:s22] =	dma.local [hbm:s5], s20  }
0x9e: {  	_ =	swait.ge [sflag:s22], s20  }
0x9f: {  	s4 =	ssub.s32 $0x0, s20;
	[sflag:s22] =	ssyncset.done $0x0  }
0xa0: {  	[sflag:s22] =	ssyncadd.s32 s4;
	_ =	sdelay $0x1  }
0xa1: {  	s23 =	simm.s32 $0x1B8B  }
0xa2: {  	_ =	swait.ge [sflag:s23], $0x1  }
0xa3: {  	[sflag:s23] =	ssyncset.done $0x0  }
0xa4: {  	s25 =	simm.s32 $0x1B8E;
	s24 =	sld [smem:$0x3FFE];
	[sflag:s23] =	ssyncadd.s32 $0xFFFFFFFF  }
0xa5: {  	s26 =	simm.s32 $execute0_lowered;
	[smem:$0x3FD2] =	sst s25  }
0xa6: {  	s5 =	sshll.u32 s26, $0x1;
	_ =	strace $0x8000004C;
	[dreg:$0x1] =	wrdreg $0xFFFFFFFF  }
0xa7: {  	s28 =	simm.s32 $_size_execute0_lowered;
	s3 =	sadd.s32 s3, s5;
	[dreg:$0x0] =	wrdreg $0x0  }
0xa8: {  	s5 =	sshll.u32 s28, $0x1;
	[dreg:$0x2] =	wrdreg s3  }
0xa9: {  	[dreg:$0x3] =	wrdreg s5  }
0xaa: {  	[dreg:$0x4] =	wrdreg $0xC0  }
0xab: {  	_ =	task [dreg:s7], $0x5FFFF  }
0xac: {  	[dreg:$0x1] =	wrdreg $0xFFFFFFFF  }
0xad: {  	[dreg:$0x0] =	wrdreg $0x60  }
0xae: {  	[dreg:$0x2] =	wrdreg s24  }
0xaf: {  	[dreg:$0x3] =	wrdreg s2  }
0xb0: {  	[dreg:$0x4] =	wrdreg $0x9  }
0xb1: {  	_ =	task.clear_ibuf [dreg:s7], $0x5FFFF;
	_ =	strace $0x9000004C  }
0xb2: {  	s29 =	simm.s32 $0x9;
	_ =	strace $0x8000004E  }
0xb3: {  	_ =	swait.ge [sflag:s29], $0x1  }
0xb4: {  	[sflag:s29] =	ssyncadd.s32 $0xFFFFFFFF  }
0xb5: {  	_ =	strace $0x9000004E  }
0xb6: {  	_ =	sfence  }
0xb7: {  	s30 =	sld [smem:$0x0];
	_ =	sdelay $0x2  }
0xb8: {  	s31 =	sshll.u32 s1, $0xD;
	s1 =	sshrl.u32 s1, $0x2  }
0xb9: {  	s3 =	sand.u32 $0x4000, s31;
	s1 =	sadd.s32 s1, s30  }
0xba: {  	s0 =	sor.u32 s3, s0;
	s1 =	sshll.u32 s1, $0x11  }
0xbb: {  	s0 =	sor.u32 s1, s0  }
0xbc: {  	s0 =	sadd.s32 $0x8F2B, s0  }
0xbd: {  	[sflag:s0] =	ssyncadd.remote.s32 $0x1  }
0xbe: {  	_ =	sfence.sel $0xFFFF  }
0xbf: {  	[dreg:$0x0] =	wrdreg $0xFFFFFFFF;
	(pc) =	sbr.abs _section_cstart, $3  }
0xc0: {  	[dreg:$0x1] =	wrdreg $0xFFFFFFFF  }
0xc1: {  	_ =	task.clear_ibuf [dreg:s7], $0x2FFFF;
	_ =	strace $0x9FFFFFFF  }
0xc2: {  	(tm) =	ssettm $0x7FFFFFFF  }
0xc3: {  	_ =	shalt  }
tec
execute0_lowered:
.L_overlay_start_1:
0x0: {  	(tag) =	ssettag $0x1  }
0x1: {  	s0 =	rddreg [dreg:$0x0]  }
0x2: {  	s5 =	rddreg [dreg:$0x1];
	s3 =	srdreg.scid  }
0x3: {  	s2 =	simm.s32 $0x0;
	s1 =	stileid.u32;
	s26 =	simm.s32 $0x880  }
0x4: {  	s10 =	simm.s32 $0x1880;
	s11 =	simm.s32 $0x2080;
	s12 =	simm.s32 $0x2880  }
0x5: {  	s13 =	simm.s32 $0x3080;
	s14 =	simm.s32 $0x3880;
	s15 =	simm.s32 $0x4080  }
0x6: {  	s16 =	simm.s32 $0x4880;
	s17 =	simm.s32 $0x5080;
	s18 =	simm.s32 $0x5880  }
0x7: {  	s19 =	simm.s32 $0x6080;
	s20 =	simm.s32 $0x6880;
	s21 =	simm.s32 $0x7080  }
0x8: {  	s22 =	simm.s32 $0x7880;
	s28 =	simm.s32 $0xA080;
	s29 =	simm.s32 $0xA880  }
0x9: {  	s30 =	simm.s32 $0xB080;
	s31 =	simm.s32 $0xB880;
	s3 =	sand.u32 $0x1, s3  }
0xa: {  	[smem:$0x7FF] =	sst s2;
	s4 =	sshll.u32 s1, $0x4;
	s6 =	sshll.u32 s3, $0x3  }
0xb: {  	_ =	strace $0x8000004D;
	s23 =	ssub.s32 $0x2, s3;
	s3 =	sadd.s32 $0xDBC00, s0  }
0xc: {  	[dreg:$0x5] =	wrdreg s26;
	s26 =	simm.s32 $0x9880;
	s4 =	sor.u32 s6, s4  }
0xd: {  	s8 =	sshrl.u32 s23, $0x1;
	s7 =	sadd.s32 s4, s0;
	s9 =	smul.u32 $0x300, s4  }
0xe: {  	s6 =	ssub.s32 s23, s8;
	s4 =	sadd.s32 $0xDBD00, s0;
	s8 =	simm.s32 $0x80  }
0xf: {  	s23 =	simm.s32 $0x8080;
	s24 =	sadd.s32 $0x93A00, s7;
	s6 =	smax.u32 s6, $0x1  }
0x10: {  	v2 =	vlaneseq.u32;
	s7 =	simm.s32 $0x2;
	[dreg:$0x3] =	wrdreg s24;
	s25 =	sadd.s32 s5, s9  }
0x11: {  	vm0 =	vmmov $0xffff;
	v1 =	vshrl.u32 v2, $0x3;
	s5 =	sadd.s32 $0xDBE00, s0;
	s9 =	simm.s32 $0x1080;
	s24 =	simm.s32 $0x8880  }
0x12: {  	v0 =	vand.u32 $0x7, v2;
	v2 =	vor.u32 $0x8, v2;
	v1 =	vmul.u32 $0x8, v1;
	s0 =	simm.s32 $0x1;
	[dreg:$0x4] =	wrdreg s25;
	s25 =	simm.s32 $0x9080  }
.LBB2_1:
0x13: {  	s1 =	rddreg [dreg:$0x3]  }
0x14: {  	[tilespmem:s2], [sflag:$0x2] =	stream.linear.gather [hbm4b:s1+s2], $0x40, $0x38;
	[tilespmem:$0xC080] =	vst v63  }
0x15: {  	_ =	swait.ge [sflag:s7], $0x40  }
0x16: {  	[sflag:s7] =	ssyncset.done $0x0  }
0x17: {  	[sflag:s7] =	ssyncadd.s32 $0xFFFFFFC0  }
0x18: {  	v3 =	vld [tilespmem:$0x0];
	_ =	sdelay $0x4  }
0x19: {  	v4 =	vshrl.u32 v3, $0x3  }
0x1a: {  	v4 =	vmul.u32 $0x30, v4  }
0x1b: {  	v3 =	vand.u32 $0x7, v3  }
0x1c: {  	v3 =	vor.u32 v3, v4  }
0x1d: {  	v4 =	vperm.xlane v3, v0;
	_ =	sdelay $0x1  }
0x1e: {  	v4 =	vadd.s32 v1, v4;
	_ =	sdelay $0x3  }
0x1f: {  	v3 =	vperm.xlane v3, v2  }
0x20: {  	[tilespmem:s8], [sflag:$0x1] =	stream.indirect_vreg.gather [hbm4b:s3+s2], $0x80, v4, vm0, $0xb8;
	[tilespmem:$0xC080] =	vst v63  }
0x21: {  	s1 =	rddreg [dreg:$0x5];
	v3 =	vadd.s32 v1, v3  }
0x22: {  	[tilespmem:s1], [sflag:$0x1] =	stream.indirect_vreg.gather [hbm4b:s4+s2], $0x80, v4, vm0, $0xb8;
	[tilespmem:$0xC080] =	vst v63  }
0x23: {  	_ = 	snop  }
0x24: {  	[tilespmem:s9], [sflag:$0x1] =	stream.indirect_vreg.gather [hbm4b:s5+s2], $0x80, v4, vm0, $0xb8;
	[tilespmem:$0xC080] =	vst v63  }
0x25: {  	_ = 	snop  }
0x26: {  	[tilespmem:s10], [sflag:$0x1] =	stream.indirect_vreg.gather [hbm4b:s3+s2], $0x80, v3, vm0, $0xb8;
	[tilespmem:$0xC080] =	vst v63  }
0x27: {  	_ = 	snop  }
0x28: {  	[tilespmem:s11], [sflag:$0x1] =	stream.indirect_vreg.gather [hbm4b:s4+s2], $0x80, v3, vm0, $0xb8;
	[tilespmem:$0xC080] =	vst v63  }
0x29: {  	_ = 	snop  }
0x2a: {  	[tilespmem:s12], [sflag:$0x1] =	stream.indirect_vreg.gather [hbm4b:s5+s2], $0x80, v3, vm0, $0xb8;
	[tilespmem:$0xC080] =	vst v63  }
0x2b: {  	v3 =	vld [tilespmem:$0x10];
	_ =	sdelay $0x4  }
0x2c: {  	v61 =	vshrl.u32 v3, $0x3  }
0x2d: {  	v4 =	vmul.u32 $0x30, v61  }
0x2e: {  	v3 =	vand.u32 $0x7, v3  }
0x2f: {  	v3 =	vor.u32 v3, v4  }
0x30: {  	v4 =	vperm.xlane v3, v0;
	_ =	sdelay $0x1  }
0x31: {  	v4 =	vadd.s32 v1, v4;
	_ =	sdelay $0x3  }
0x32: {  	v3 =	vperm.xlane v3, v2  }
0x33: {  	[tilespmem:s13], [sflag:$0x1] =	stream.indirect_vreg.gather [hbm4b:s3+s2], $0x80, v4, vm0, $0xb8;
	[tilespmem:$0xC080] =	vst v63  }
0x34: {  	v3 =	vadd.s32 v1, v3  }
0x35: {  	[tilespmem:s14], [sflag:$0x1] =	stream.indirect_vreg.gather [hbm4b:s4+s2], $0x80, v4, vm0, $0xb8;
	[tilespmem:$0xC080] =	vst v63  }
0x36: {  	_ = 	snop  }
0x37: {  	[tilespmem:s15], [sflag:$0x1] =	stream.indirect_vreg.gather [hbm4b:s5+s2], $0x80, v4, vm0, $0xb8;
	[tilespmem:$0xC080] =	vst v63  }
0x38: {  	_ = 	snop  }
0x39: {  	[tilespmem:s16], [sflag:$0x1] =	stream.indirect_vreg.gather [hbm4b:s3+s2], $0x80, v3, vm0, $0xb8;
	[tilespmem:$0xC080] =	vst v63  }
0x3a: {  	_ = 	snop  }
0x3b: {  	[tilespmem:s17], [sflag:$0x1] =	stream.indirect_vreg.gather [hbm4b:s4+s2], $0x80, v3, vm0, $0xb8;
	[tilespmem:$0xC080] =	vst v63  }
0x3c: {  	_ = 	snop  }
0x3d: {  	[tilespmem:s18], [sflag:$0x1] =	stream.indirect_vreg.gather [hbm4b:s5+s2], $0x80, v3, vm0, $0xb8;
	[tilespmem:$0xC080] =	vst v63  }
0x3e: {  	v3 =	vld [tilespmem:$0x20];
	_ =	sdelay $0x4  }
0x3f: {  	v62 =	vshrl.u32 v3, $0x3  }
0x40: {  	v4 =	vmul.u32 $0x30, v62  }
0x41: {  	v3 =	vand.u32 $0x7, v3  }
0x42: {  	v3 =	vor.u32 v3, v4  }
0x43: {  	v4 =	vperm.xlane v3, v0;
	_ =	sdelay $0x1  }
0x44: {  	v4 =	vadd.s32 v1, v4;
	_ =	sdelay $0x3  }
0x45: {  	v3 =	vperm.xlane v3, v2  }
0x46: {  	[tilespmem:s19], [sflag:$0x1] =	stream.indirect_vreg.gather [hbm4b:s3+s2], $0x80, v4, vm0, $0xb8;
	[tilespmem:$0xC080] =	vst v63  }
0x47: {  	v3 =	vadd.s32 v1, v3  }
0x48: {  	[tilespmem:s20], [sflag:$0x1] =	stream.indirect_vreg.gather [hbm4b:s4+s2], $0x80, v4, vm0, $0xb8;
	[tilespmem:$0xC080] =	vst v63  }
0x49: {  	_ = 	snop  }
0x4a: {  	[tilespmem:s21], [sflag:$0x1] =	stream.indirect_vreg.gather [hbm4b:s5+s2], $0x80, v4, vm0, $0xb8;
	[tilespmem:$0xC080] =	vst v63  }
0x4b: {  	_ = 	snop  }
0x4c: {  	[tilespmem:s22], [sflag:$0x1] =	stream.indirect_vreg.gather [hbm4b:s3+s2], $0x80, v3, vm0, $0xb8;
	[tilespmem:$0xC080] =	vst v63  }
0x4d: {  	_ = 	snop  }
0x4e: {  	[tilespmem:s23], [sflag:$0x1] =	stream.indirect_vreg.gather [hbm4b:s4+s2], $0x80, v3, vm0, $0xb8;
	[tilespmem:$0xC080] =	vst v63  }
0x4f: {  	_ = 	snop  }
0x50: {  	[tilespmem:s24], [sflag:$0x1] =	stream.indirect_vreg.gather [hbm4b:s5+s2], $0x80, v3, vm0, $0xb8;
	[tilespmem:$0xC080] =	vst v63  }
0x51: {  	v3 =	vld [tilespmem:$0x30];
	_ =	sdelay $0x4  }
0x52: {  	v63 =	vshrl.u32 v3, $0x3  }
0x53: {  	v4 =	vmul.u32 $0x30, v63  }
0x54: {  	v3 =	vand.u32 $0x7, v3  }
0x55: {  	v3 =	vor.u32 v3, v4  }
0x56: {  	v4 =	vperm.xlane v3, v0;
	_ =	sdelay $0x1  }
0x57: {  	v4 =	vadd.s32 v1, v4;
	_ =	sdelay $0x3  }
0x58: {  	v3 =	vperm.xlane v3, v2  }
0x59: {  	[tilespmem:s25], [sflag:$0x1] =	stream.indirect_vreg.gather [hbm4b:s3+s2], $0x80, v4, vm0, $0xb8;
	[tilespmem:$0xC080] =	vst v63  }
0x5a: {  	v3 =	vadd.s32 v1, v3  }
0x5b: {  	[tilespmem:s26], [sflag:$0x1] =	stream.indirect_vreg.gather [hbm4b:s4+s2], $0x80, v4, vm0, $0xb8;
	[tilespmem:$0xC080] =	vst v63  }
0x5c: {  	_ = 	snop  }
0x5d: {  	[tilespmem:s28], [sflag:$0x1] =	stream.indirect_vreg.gather [hbm4b:s5+s2], $0x80, v4, vm0, $0xb8;
	[tilespmem:$0xC080] =	vst v63  }
0x5e: {  	_ = 	snop  }
0x5f: {  	[tilespmem:s29], [sflag:$0x1] =	stream.indirect_vreg.gather [hbm4b:s3+s2], $0x80, v3, vm0, $0xb8;
	[tilespmem:$0xC080] =	vst v63  }
0x60: {  	_ = 	snop  }
0x61: {  	[tilespmem:s30], [sflag:$0x1] =	stream.indirect_vreg.gather [hbm4b:s4+s2], $0x80, v3, vm0, $0xb8;
	[tilespmem:$0xC080] =	vst v63  }
0x62: {  	_ = 	snop  }
0x63: {  	[tilespmem:s31], [sflag:$0x1] =	stream.indirect_vreg.gather [hbm4b:s5+s2], $0x80, v3, vm0, $0xb8;
	[tilespmem:$0xC080] =	vst v63  }
0x64: {  	_ =	swait.ge [sflag:s0], $0xC000  }
0x65: {  	p0 =	sne.s32 s6, $0x1;
	[sflag:s0] =	ssyncset.done $0x0  }
.Ltmp0:
0x66: {  	s1 =	rddreg [dreg:$0x4];
	[sflag:s0] =	ssyncadd.s32 $0xFFFF4000;
	(pc) =	sbr.rel @p0 .LBB2_1-.Ltmp0, $4  }
0x67: {  	[hbm4b:s1+s2] =	stream.linear.scatter [tilespmem:s8], [sflag:$0x2], $0xC000, $0x38;
	[tilespmem:$0xC080] =	vst v63  }
0x68: {  	_ =	swait.ge [sflag:s7], $0xC000  }
0x69: {  	[sflag:s7] =	ssyncset.done $0x0  }
0x6a: {  	s6 =	sadd.s32 $0xFFFFFFFF, s6;
	[sflag:s7] =	ssyncadd.s32 $0xFFFF4000  }
0x6b: {  	_ =	sfence.sel $0x180000  }
0x6c: {  	[bflag:$0x0] =	sbarrier.arrive $0xFFFF  }
0x6d: {  	_ =	strace $0x9000004D  }
0x6e: {  	s0 =	stileid.u32;
	[bflag:$0x2] =	sbarrier.arrive $0xFFFF  }
0x6f: {  	p0 =	sne.s32 s0, $0x0;
	s0 =	rddreg [dreg:$0x2]  }
0x70: {  	s0 =	sadd.s32 @!p0 $0x100000, s0  }
0x71: {  	[sflag:s0] =	ssyncadd.tile.s32 @!p0 $0x1;
	_ =	shalt  }
.Lfunc_end2:
_tile_overlayer_lowered:
.L_overlay_start_2:
0x72: {  	(tag) =	ssettag $0x2  }
0x73: {  	s0 =	rddreg [dreg:$0x0];
	s2 =	stileid.u32  }
0x74: {  	s1 =	rddreg [dreg:$0x1];
	p0 =	sne.s32 s2, $0x0  }
0x75: {  	s3 =	rddreg [dreg:$0x2];
	[bflag:$0x3] =	sbarrier.arrive $0xFFFF;
	s2 =	simm.s32 @!p0 $0x1C02  }
0x76: {  	[timem:s3], [sflag:s2] =	dma.local @!p0 [hbm:s0], s1  }
0x77: {  	s0 =	simm.s32 @!p0 $0x2  }
0x78: {  	_ =	swait.ge @!p0 [sflag:s0], s1  }
0x79: {  	s1 =	ssub.s32 @!p0 $0x0, s1;
	[sflag:s0] =	ssyncset.done @!p0 $0x0  }
0x7a: {  	[sflag:s0] =	ssyncadd.s32 @!p0 s1  }
0x7b: {  	[bflag:$0x3] =	sbarrier.arrive $0xFFFF  }
0x7c: {  	_ =	shalt  }

// kernel: kernel.6.cloned.1.call-start
scs
__scs_entry_jumppad:
0x0: {  	(pc) =	sbr.rel $0x88, $3  }
0x1: {  	(tag) =	ssettag $0x0;
	lr =	simm.s32 $0x1  }
0x2: {  	[smem:$0x3F9B] =	sst lr;
	_ =	strace $0xD0000000  }
0x3: {  	_ = 	snop  }
0x4: {  	_ = 	snop  }
0x5: {  	_ = 	snop  }
0x6: {  	_ = 	snop  }
0x7: {  	_ = 	snop  }
__scs_overlays_trampoline_lowered:
0x8: {  	[smem:$0x3FAA] =	sst s0  }
0x9: {  	[smem:$0x3FAB] =	sst s1  }
0xa: {  	[smem:$0x3FAC] =	sst s2  }
0xb: {  	[smem:$0x3FAD] =	sst s3  }
0xc: {  	[smem:$0x3FAE] =	sst s4  }
0xd: {  	[smem:$0x3FAF] =	sst s5  }
0xe: {  	[smem:$0x3FB0] =	sst s6  }
0xf: {  	[smem:$0x3FB1] =	sst s7  }
0x10: {  	[smem:$0x3FB2] =	sst s8  }
0x11: {  	[smem:$0x3FB3] =	sst s9;
	s0 =	simm.s32 @!p0 $0x0  }
0x12: {  	s1 =	sld [smem:$0x3F99];
	s0 =	simm.s32 @p0 $0x1  }
0x13: {  	[smem:$0x3FB4] =	sst s0;
	s0 =	simm.s32 @!p1 $0x0  }
0x14: {  	s2 =	sld [smem:$0x3F98];
	s0 =	simm.s32 @p1 $0x1  }
0x15: {  	[smem:$0x3FB5] =	sst s0;
	s0 =	simm.s32 @!p2 $0x0  }
0x16: {  	s3 =	sld [smem:$0x3FDB];
	s0 =	simm.s32 @p2 $0x1  }
0x17: {  	s4 =	simm.s32 $0x1BF5;
	[smem:$0x3FB7] =	sst s0  }
0x18: {  	s0 =	sld [smem:$0x3F9A];
	_ =	swait.ge [sflag:s4], $0x0  }
0x19: {  	s7 =	sld [smem:$0x3F9B]  }
0x1a: {  	s8 =	sadd.s32 $0xFFFFE003, lr  }
0x1b: {  	s9 =	sadd.s32 $0xFFFFFEF7, lr;
	s5 =	simm.s32 $0xFFFFFFFF;
	p2 =	slt.u32 s8, $0xFFFFF086  }
0x1c: {  	p1 =	slt.u32 s9, $0xF7A;
	s5 =	simm.s32 @!p2 $0x0  }
0x1d: {  	s5 =	simm.s32 @p1 $0x1;
	p0 =	seq.s32 s7, s2  }
0x1e: {  	s7 =	smul.u32 @!p0 $0xF7A, s2;
	p2 =	seq.s32 @!p0 s5, $0x0  }
0x1f: {  	s9 =	smul.u32 $0xF7A, s1;
	s8 =	simm.s32 @!p0 $0x1BF5;
	p2 =	por !p2, p0  }
0x20: {  	[sflag:s8] =	ssyncset.s32 @!p0 $0xFFFFF086;
	s6 =	sadd.s32 @!p0 s3, s7;
	s7 =	simm.s32 @!p0 $0x108  }
0x21: {  	s3 =	sadd.s32 s3, s9;
	s6 =	sadd.s32 @!p0 $0x88, s6;
	s7 =	simm.s32 @p2 $0x1082  }
0x22: {  	[simem:s7], [sflag:s8] =	dma.local @!p0 [hbm:s6], $0xF7A  }
0x23: {  	s9 =	sor.u32 $0xD0000000, s2;
	s6 =	simm.s32 $0x108;
	_ =	swait.ge @!p0 [sflag:s8], $0x0  }
0x24: {  	s3 =	sadd.s32 $0x88, s3;
	s6 =	simm.s32 @!p1 $0x1082;
	[sflag:s4] =	ssyncset.s32 $0xFFFFF086  }
0x25: {  	[simem:s6], [sflag:s4] =	dma.local [hbm:s3], $0xF7A  }
0x26: {  	[smem:$0x3F9B] =	sst s1;
	(tag) =	ssettag s2;
	_ =	strace s9  }
0x27: {  	s1 =	sld [smem:$0x3FAB]  }
0x28: {  	s2 =	sld [smem:$0x3FAC]  }
0x29: {  	s4 =	sld [smem:$0x3FAE]  }
0x2a: {  	p0 =	seq.s32 s5, $0x0;
	s5 =	sld [smem:$0x3FAF]  }
0x2b: {  	s6 =	sld [smem:$0x3FB0]  }
0x2c: {  	s7 =	sld [smem:$0x3FB1]  }
0x2d: {  	s3 =	simm.s32 $0x108;
	s8 =	sld [smem:$0x3FB2]  }
0x2e: {  	s3 =	simm.s32 @!p0 $0x1082;
	s9 =	sld [smem:$0x3FB3]  }
0x2f: {  	lr =	sadd.s32 s0, s3;
	s0 =	sld [smem:$0x3FAA]  }
0x30: {  	s3 =	sld [smem:$0x3FAD]  }
0x31: {  	[smem:$0x3FB6] =	sst s10  }
0x32: {  	s10 =	sld [smem:$0x3FB4];
	_ =	sdelay $0x3  }
0x33: {  	p0 =	seq.s32 s10, $0x1;
	s10 =	sld [smem:$0x3FB6];
	_ =	sdelay $0x3  }
0x34: {  	[smem:$0x3FB6] =	sst s10  }
0x35: {  	s10 =	sld [smem:$0x3FB5];
	_ =	sdelay $0x3  }
0x36: {  	p1 =	seq.s32 s10, $0x1;
	s10 =	sld [smem:$0x3FB6];
	_ =	sdelay $0x3  }
0x37: {  	[smem:$0x3FB6] =	sst s10  }
0x38: {  	s10 =	sld [smem:$0x3FB7]  }
0x39: {  	_ = 	snop;
	(pc) =	sbr.ind lr, $3  }
0x3a: {  	_ = 	snop  }
0x3b: {  	_ = 	snop  }
0x3c: {  	p2 =	seq.s32 s10, $0x1;
	s10 =	sld [smem:$0x3FB6]  }
0x3d: {  	_ =	shalt  }
0x3e: {  	_ =	shalt  }
0x3f: {  	_ =	shalt  }
0x40: {  	_ =	shalt  }
0x41: {  	_ =	shalt  }
0x42: {  	_ =	shalt  }
0x43: {  	_ =	shalt  }
0x44: {  	_ =	shalt  }
0x45: {  	_ =	shalt  }
0x46: {  	_ =	shalt  }
0x47: {  	_ =	shalt  }
0x48: {  	_ =	shalt  }
0x49: {  	_ =	shalt  }
0x4a: {  	_ =	shalt  }
0x4b: {  	_ =	shalt  }
0x4c: {  	_ =	shalt  }
0x4d: {  	_ =	shalt  }
0x4e: {  	_ =	shalt  }
0x4f: {  	_ =	shalt  }
0x50: {  	_ =	shalt  }
0x51: {  	_ =	shalt  }
0x52: {  	_ =	shalt  }
0x53: {  	_ =	shalt  }
0x54: {  	_ =	shalt  }
0x55: {  	_ =	shalt  }
0x56: {  	_ =	shalt  }
0x57: {  	_ =	shalt  }
0x58: {  	_ =	shalt  }
0x59: {  	_ =	shalt  }
0x5a: {  	_ =	shalt  }
0x5b: {  	_ =	shalt  }
0x5c: {  	_ =	shalt  }
0x5d: {  	_ =	shalt  }
0x5e: {  	_ =	shalt  }
0x5f: {  	_ =	shalt  }
0x60: {  	_ =	shalt  }
0x61: {  	_ =	shalt  }
0x62: {  	_ =	shalt  }
0x63: {  	_ =	shalt  }
0x64: {  	_ =	shalt  }
0x65: {  	_ =	shalt  }
0x66: {  	_ =	shalt  }
0x67: {  	_ =	shalt  }
0x68: {  	_ =	shalt  }
0x69: {  	_ =	shalt  }
0x6a: {  	_ =	shalt  }
0x6b: {  	_ =	shalt  }
0x6c: {  	_ =	shalt  }
0x6d: {  	_ =	shalt  }
0x6e: {  	_ =	shalt  }
0x6f: {  	_ =	shalt  }
0x70: {  	_ =	shalt  }
0x71: {  	_ =	shalt  }
0x72: {  	_ =	shalt  }
0x73: {  	_ =	shalt  }
0x74: {  	_ =	shalt  }
0x75: {  	_ =	shalt  }
0x76: {  	_ =	shalt  }
0x77: {  	_ =	shalt  }
0x78: {  	_ =	shalt  }
0x79: {  	_ =	shalt  }
0x7a: {  	_ =	shalt  }
0x7b: {  	_ =	shalt  }
0x7c: {  	_ =	shalt  }
0x7d: {  	_ =	shalt  }
0x7e: {  	_ =	shalt  }
0x7f: {  	_ =	shalt  }
0x80: {  	_ =	shalt  }
0x81: {  	_ =	shalt  }
0x82: {  	_ =	shalt  }
0x83: {  	_ =	shalt  }
0x84: {  	_ =	shalt  }
0x85: {  	_ =	shalt  }
0x86: {  	_ =	shalt  }
0x87: {  	_ =	shalt  }
.Lfunc_end0:
.L_simem_size_0:
called_computation_lowered:
.L_overlay_start_0:
0x88: {  	s2 =	sld [smem:$0x3FD9]  }
0x89: {  	s3 =	sld [smem:$0x3FFE];
	_ =	sdelay $0x1  }
0x8a: {  	s1 =	srdreg.scid  }
0x8b: {  	s0 =	sand.u32 $0x1, s1  }
0x8c: {  	s17 =	sshll.u32 s0, $0xA;
	s2 =	sadd.s32 s3, s2  }
0x8d: {  	s2 =	sadd.s32 s2, s17  }
0x8e: {  	[smem:$0x3FC2] =	sst s2  }
0x8f: {  	_ = 	snop  }
0x90: {  	s2 =	sld [smem:$0x3FC8]  }
0x91: {  	s18 =	sld [smem:$0x3FC7];
	(tm) =	ssettm $0x1  }
0x92: {  	s4 =	sld [smem:$0x3FFB];
	_ =	sdelay $0x3  }
0x93: {  	_ =	strace s4  }
0x94: {  	s4 =	sld [smem:$0x3FFC];
	_ =	sdelay $0x3  }
0x95: {  	_ =	strace s4  }
0x96: {  	s4 =	sld [smem:$0x3FFD];
	_ =	sdelay $0x3  }
0x97: {  	_ =	strace s4  }
0x98: {  	_ =	strace $0x8FFFFFFF  }
0x99: {  	s19 =	sld [smem:$0x3FDB];
	_ =	sdelay $0x1  }
0x9a: {  	s5 =	simm.s32 $_scs_section_size  }
0x9b: {  	s6 =	simm.s32 $_size__tile_overlayer_lowered;
	s7 =	simm.s32 $_tile_overlayer_lowered  }
0x9c: {  	s22 =	simm.s32 $0x1BFF;
	s21 =	sshll.u32 s7, $0x1;
	s4 =	sadd.s32 s5, s19  }
0x9d: {  	s8 =	simm.s32 $0x0;
	s20 =	sshll.u32 s6, $0x1;
	s6 =	sadd.s32 s21, s4  }
0x9e: {  	[timem:s8], [sflag:s22] =	dma.local [hbm:s6], s20  }
0x9f: {  	_ =	swait.ge [sflag:s22], s20  }
0xa0: {  	s5 =	ssub.s32 $0x0, s20;
	[sflag:s22] =	ssyncset.done $0x0  }
0xa1: {  	[sflag:s22] =	ssyncadd.s32 s5;
	_ =	sdelay $0x1  }
0xa2: {  	s23 =	simm.s32 $0x1B8B  }
0xa3: {  	_ =	swait.ge [sflag:s23], $0x1  }
0xa4: {  	[sflag:s23] =	ssyncset.done $0x0  }
0xa5: {  	s25 =	simm.s32 $0x1B8E;
	s24 =	sld [smem:$0x3FFE];
	[sflag:s23] =	ssyncadd.s32 $0xFFFFFFFF  }
0xa6: {  	s26 =	simm.s32 $execute0_lowered;
	[smem:$0x3FD2] =	sst s25  }
0xa7: {  	s6 =	sshll.u32 s26, $0x1;
	_ =	strace $0x80000046;
	[dreg:$0x1] =	wrdreg $0xFFFFFFFF  }
0xa8: {  	s28 =	simm.s32 $_size_execute0_lowered;
	s4 =	sadd.s32 s4, s6;
	[dreg:$0x0] =	wrdreg $0x0  }
0xa9: {  	s6 =	sshll.u32 s28, $0x1;
	[dreg:$0x2] =	wrdreg s4  }
0xaa: {  	[dreg:$0x3] =	wrdreg s6  }
0xab: {  	[dreg:$0x4] =	wrdreg $0xC0  }
0xac: {  	_ =	task [dreg:s8], $0x5FFFF  }
0xad: {  	[dreg:$0x1] =	wrdreg $0xFFFFFFFF  }
0xae: {  	[dreg:$0x0] =	wrdreg $0x60  }
0xaf: {  	[dreg:$0x2] =	wrdreg s2  }
0xb0: {  	[dreg:$0x3] =	wrdreg s18  }
0xb1: {  	[dreg:$0x4] =	wrdreg s24  }
0xb2: {  	[dreg:$0x5] =	wrdreg $0x9  }
0xb3: {  	_ =	task.clear_ibuf [dreg:s8], $0x6FFFF;
	_ =	strace $0x90000046  }
0xb4: {  	s29 =	simm.s32 $0x9;
	_ =	strace $0x80000048  }
0xb5: {  	_ =	swait.ge [sflag:s29], $0x1  }
0xb6: {  	[sflag:s29] =	ssyncadd.s32 $0xFFFFFFFF  }
0xb7: {  	_ =	strace $0x90000048  }
0xb8: {  	_ =	sfence  }
0xb9: {  	s30 =	sld [smem:$0x0];
	_ =	sdelay $0x2  }
0xba: {  	s31 =	sshll.u32 s1, $0xD;
	s1 =	sshrl.u32 s1, $0x2  }
0xbb: {  	s3 =	sand.u32 $0x4000, s31;
	s1 =	sadd.s32 s1, s30  }
0xbc: {  	s0 =	sor.u32 s3, s0;
	s1 =	sshll.u32 s1, $0x11  }
0xbd: {  	s0 =	sor.u32 s1, s0  }
0xbe: {  	s0 =	sadd.s32 $0x8F2B, s0  }
0xbf: {  	[sflag:s0] =	ssyncadd.remote.s32 $0x1  }
0xc0: {  	_ =	sfence.sel $0xFFFF  }
0xc1: {  	[dreg:$0x0] =	wrdreg $0xFFFFFFFF;
	(pc) =	sbr.abs _section_cstart, $3  }
0xc2: {  	[dreg:$0x1] =	wrdreg $0xFFFFFFFF  }
0xc3: {  	_ =	task.clear_ibuf [dreg:s8], $0x2FFFF;
	_ =	strace $0x9FFFFFFF  }
0xc4: {  	(tm) =	ssettm $0x7FFFFFFF  }
0xc5: {  	_ =	shalt  }
tec
execute0_lowered:
.L_overlay_start_1:
0x0: {  	(tag) =	ssettag $0x1  }
0x1: {  	s4 =	rddreg [dreg:$0x0]  }
0x2: {  	s2 =	rddreg [dreg:$0x1]  }
0x3: {  	s5 =	rddreg [dreg:$0x2]  }
0x4: {  	s0 =	rddreg [dreg:$0x3];
	s6 =	srdreg.scid  }
0x5: {  	s1 =	stileid.u32;
	s3 =	simm.s32 $0x0;
	s11 =	simm.s32 $0x1  }
0x6: {  	s12 =	simm.s32 $0x100;
	s6 =	sand.u32 $0x1, s6;
	s7 =	sshll.u32 s1, $0x1  }
0x7: {  	s13 =	simm.s32 $0x0;
	[smem:$0x7FF] =	sst s3;
	s7 =	sor.u32 s6, s7  }
0x8: {  	_ =	strace $0x80000047;
	s6 =	ssub.s32 $0x2, s6;
	s8 =	sshll.u32 s7, $0x3  }
0x9: {  	s7 =	sshll.u32 s7, $0x4;
	s10 =	sshrl.u32 s6, $0x1;
	s9 =	sadd.s32 s8, s5  }
0xa: {  	s7 =	sadd.s32 s7, s5;
	s10 =	ssub.s32 s6, s10;
	s4 =	sadd.s32 s4, s8  }
0xb: {  	s8 =	simm.s32 $0x2;
	s5 =	sadd.s32 $0x3000, s9;
	s6 =	sadd.s32 $0x3200, s7  }
0xc: {  	v0 =	vimm.s32 $0x0;
	v1 =	vlaneseq.u32;
	s7 =	smax.u32 s10, $0x1;
	s9 =	simm.s32 $0x40;
	s10 =	simm.s32 $0x80  }
.LBB2_1:
0xd: {  	[tilespmem:s3], [sflag:$0x2] =	stream.linear.gather [hbm4b:s4+s3], $0x40, $0x38;
	[tilespmem:$0x180] =	vst v63  }
0xe: {  	_ =	swait.ge [sflag:s8], $0x40  }
0xf: {  	[sflag:s8] =	ssyncset.done $0x0  }
0x10: {  	[sflag:s8] =	ssyncadd.s32 $0xFFFFFFC0  }
0x11: {  	v2 =	vld [tilespmem:$0x0]  }
0x12: {  	v3 =	vld [tilespmem:$0x10]  }
0x13: {  	v4 =	vld [tilespmem:$0x20]  }
0x14: {  	v5 =	vld [tilespmem:$0x30];
	_ =	sdelay $0x1  }
0x15: {  	vm0 =	vgt.s32 v2, $0x0  }
0x16: {  	vm7 =	vgt.s32 v3, $0x0;
	v2 =	vnsel vm0, $0x0, v2  }
0x17: {  	vm8 =	vgt.s32 v4, $0x0;
	v3 =	vnsel vm7, $0x0, v3;
	v2 =	vmin.u32 v2, $0x1869F  }
0x18: {  	vm9 =	vgt.s32 v5, $0x0;
	[tilespmem:$0x0] =	vst v2;
	v2 =	vmin.u32 v3, $0x1869F;
	v3 =	vnsel vm8, $0x0, v4  }
0x19: {  	[tilespmem:$0x10] =	vst v2;
	v2 =	vmin.u32 v3, $0x1869F;
	v3 =	vnsel vm9, $0x0, v5  }
0x1a: {  	[tilespmem:$0x20] =	vst v2;
	v2 =	vmin.u32 v3, $0x1869F  }
0x1b: {  	[tilespmem:$0x30] =	vst v2  }
0x1c: {  	[tilespmem:s10], [sflag:$0x1] =	stream.indirect.gather [hbm4b:s2+s9], $0x1, s3, s9, $0xb8;
	[tilespmem:$0x180] =	vst v63  }
0x1d: {  	_ =	swait.ge [sflag:s11], $0x40  }
0x1e: {  	[sflag:s11] =	ssyncset.done $0x0  }
0x1f: {  	[sflag:s11] =	ssyncadd.s32 $0xFFFFFFC0  }
0x20: {  	[hbm4b:s5+s3] =	stream.linear.scatter [tilespmem:s10], [sflag:$0x2], $0x40, $0x38;
	[tilespmem:$0x180] =	vst v63  }
0x21: {  	_ =	swait.ge [sflag:s8], $0x40  }
0x22: {  	[sflag:s8] =	ssyncset.done $0x0  }
0x23: {  	[sflag:s8] =	ssyncadd.s32 $0xFFFFFFC0  }
0x24: {  	v2 =	vld [tilespmem:$0x80]  }
0x25: {  	v3 =	vld [tilespmem:$0x90]  }
0x26: {  	v4 =	vld [tilespmem:$0xA0]  }
0x27: {  	v5 =	vld [tilespmem:$0xB0];
	_ =	sdelay $0x2  }
0x28: {  	vm10 =	veq.s32 v2, s3;
	vm1 =	veq.s32 v3, s3  }
0x29: {  	vm2 =	veq.s32 v4, s3;
	v6 =	vsel vm10, $0x1, v0;
	v7 =	vsel vm1, $0x1, v0  }
0x2a: {  	vm11 =	veq.s32 v5, s3;
	v6 =	vadd.s32 v7, v6;
	v7 =	vsel vm2, $0x1, v0  }
0x2b: {  	v6 =	vadd.s32 v7, v6;
	v7 =	vsel vm11, $0x1, v0  }
0x2c: {  	v6 =	vadd.s32 v7, v6  }
0x2d: {  	s14 =	simm.s32 $0x1;
	(xrf0) =	vadd.scan.msk.s32 $0xffff, v6  }
0x2e: {  	vm12 =	veq.s32 v2, s14;
	vm13 =	veq.s32 v3, s14  }
0x2f: {  	vm14 =	veq.s32 v4, s14;
	v8 =	vsel vm12, $0x1, v0;
	v9 =	vsel vm13, $0x1, v0  }
0x30: {  	vm15 =	veq.s32 v5, s14;
	v63 =	vsel vm14, $0x1, v0;
	v8 =	vadd.s32 v9, v8  }
0x31: {  	v7 =	vadd.s32 v63, v8;
	v8 =	vsel vm15, $0x1, v0  }
0x32: {  	s15 =	simm.s32 $0x2;
	s16 =	simm.s32 $0x0;
	v7 =	vadd.s32 v8, v7;
	v6 =	vimm.s32 $0x0  }
.LBB2_2:
0x33: {  	vm0 =	veq.s32 v4, s15;
	vm1 =	veq.s32 v5, s15;
	(xrf0) =	vadd.scan.msk.s32 $0xffff, v7;
	v7 =	vmov s16;
	v8, _, _ =	vpop (xrf0);
	s16 =	smov.u32 s14;
	s14 =	smov.u32 s15;
	p0 =	sne.s32 s15, $0xF  }
.Ltmp0:
0x34: {  	s15 =	sadd.s32 $0x1, s15;
	vm2 =	veq.s32 v2, s14;
	vm3 =	veq.s32 v3, s14;
	v8 =	vbroadcast v8, $0xF;
	(pc) =	sbr.rel @p0 .LBB2_2-.Ltmp0, $4  }
0x35: {  	v9 =	vsel vm2, $0x1, v0;
	v10 =	vsel vm3, $0x1, v0;
	vm2 =	veq.s32 v7, v1  }
0x36: {  	v7 =	vadd.s32 v10, v9;
	v9 =	vsel vm0, $0x1, v0;
	v6 =	vsel vm2, v8, v6  }
0x37: {  	v8 =	vsel vm1, $0x1, v0;
	v7 =	vadd.s32 v9, v7  }
0x38: {  	v7 =	vadd.s32 v8, v7  }
0x39: {  	(xrf0) =	vadd.scan.msk.s32 $0xffff, v7;
	_ =	sdelay $0x4  }
0x3a: {  	v2, _, _ =	vpop (xrf0)  }
0x3b: {  	v3 =	vmov s16;
	v2 =	vbroadcast v2, $0xF;
	v4, _, _ =	vpop (xrf0)  }
0x3c: {  	vm0 =	veq.s32 v3, v1;
	v3 =	vmov s14;
	v4 =	vbroadcast v4, $0xF  }
0x3d: {  	s13 =	sadd.s32 $0x1, s13;
	vm15 =	veq.s32 v3, v1;
	v2 =	vsel vm0, v2, v6  }
0x3e: {  	p0 =	sne.s32 s13, s7;
	v2 =	vsel vm15, v4, v2  }
.Ltmp1:
0x3f: {  	[tilespmem:$0x100] =	vst v2;
	(pc) =	sbr.rel @p0 .LBB2_1-.Ltmp1, $4  }
0x40: {  	[hbm4b:s6+s3] =	stream.linear.scatter [tilespmem:s12], [sflag:$0x2], $0x80, $0x38;
	[tilespmem:$0x180] =	vst v63  }
0x41: {  	_ =	swait.ge [sflag:s8], $0x80  }
0x42: {  	[sflag:s8] =	ssyncset.done $0x0  }
0x43: {  	[sflag:s8] =	ssyncadd.s32 $0xFFFFFF80  }
0x44: {  	_ =	sfence.sel $0x180000  }
0x45: {  	[bflag:$0x0] =	sbarrier.arrive $0xFFFF  }
0x46: {  	p0 =	sne.s32 s1, $0x0;
	_ =	strace $0x90000047  }
0x47: {  	s0 =	sadd.s32 @!p0 $0x100000, s0;
	[bflag:$0x2] =	sbarrier.arrive $0xFFFF  }
0x48: {  	[sflag:s0] =	ssyncadd.tile.s32 @!p0 $0x1;
	_ =	shalt  }
.Lfunc_end2:
_tile_overlayer_lowered:
.L_overlay_start_2:
0x49: {  	(tag) =	ssettag $0x2  }
0x4a: {  	s0 =	rddreg [dreg:$0x0];
	s2 =	stileid.u32  }
0x4b: {  	s1 =	rddreg [dreg:$0x1];
	p0 =	sne.s32 s2, $0x0  }
0x4c: {  	s3 =	rddreg [dreg:$0x2];
	[bflag:$0x3] =	sbarrier.arrive $0xFFFF;
	s2 =	simm.s32 @!p0 $0x1C02  }
0x4d: {  	[timem:s3], [sflag:s2] =	dma.local @!p0 [hbm:s0], s1  }
0x4e: {  	s0 =	simm.s32 @!p0 $0x2  }
0x4f: {  	_ =	swait.ge @!p0 [sflag:s0], s1  }
0x50: {  	s1 =	ssub.s32 @!p0 $0x0, s1;
	[sflag:s0] =	ssyncset.done @!p0 $0x0  }
0x51: {  	[sflag:s0] =	ssyncadd.s32 @!p0 s1  }
0x52: {  	[bflag:$0x3] =	sbarrier.arrive $0xFFFF  }
0x53: {  	_ =	shalt  }

// kernel: kernel.9.cloned.1.call-start
scs
__scs_entry_jumppad:
0x0: {  	(pc) =	sbr.rel $0x88, $3  }
0x1: {  	(tag) =	ssettag $0x0;
	lr =	simm.s32 $0x1  }
0x2: {  	[smem:$0x3F9B] =	sst lr;
	_ =	strace $0xD0000000  }
0x3: {  	_ = 	snop  }
0x4: {  	_ = 	snop  }
0x5: {  	_ = 	snop  }
0x6: {  	_ = 	snop  }
0x7: {  	_ = 	snop  }
__scs_overlays_trampoline_lowered:
0x8: {  	[smem:$0x3FAA] =	sst s0  }
0x9: {  	[smem:$0x3FAB] =	sst s1  }
0xa: {  	[smem:$0x3FAC] =	sst s2  }
0xb: {  	[smem:$0x3FAD] =	sst s3  }
0xc: {  	[smem:$0x3FAE] =	sst s4  }
0xd: {  	[smem:$0x3FAF] =	sst s5  }
0xe: {  	[smem:$0x3FB0] =	sst s6  }
0xf: {  	[smem:$0x3FB1] =	sst s7  }
0x10: {  	[smem:$0x3FB2] =	sst s8  }
0x11: {  	[smem:$0x3FB3] =	sst s9;
	s0 =	simm.s32 @!p0 $0x0  }
0x12: {  	s1 =	sld [smem:$0x3F99];
	s0 =	simm.s32 @p0 $0x1  }
0x13: {  	[smem:$0x3FB4] =	sst s0;
	s0 =	simm.s32 @!p1 $0x0  }
0x14: {  	s2 =	sld [smem:$0x3F98];
	s0 =	simm.s32 @p1 $0x1  }
0x15: {  	[smem:$0x3FB5] =	sst s0;
	s0 =	simm.s32 @!p2 $0x0  }
0x16: {  	s3 =	sld [smem:$0x3FDB];
	s0 =	simm.s32 @p2 $0x1  }
0x17: {  	s4 =	simm.s32 $0x1BF5;
	[smem:$0x3FB7] =	sst s0  }
0x18: {  	s0 =	sld [smem:$0x3F9A];
	_ =	swait.ge [sflag:s4], $0x0  }
0x19: {  	s7 =	sld [smem:$0x3F9B]  }
0x1a: {  	s8 =	sadd.s32 $0xFFFFE003, lr  }
0x1b: {  	s9 =	sadd.s32 $0xFFFFFEF7, lr;
	s5 =	simm.s32 $0xFFFFFFFF;
	p2 =	slt.u32 s8, $0xFFFFF086  }
0x1c: {  	p1 =	slt.u32 s9, $0xF7A;
	s5 =	simm.s32 @!p2 $0x0  }
0x1d: {  	s5 =	simm.s32 @p1 $0x1;
	p0 =	seq.s32 s7, s2  }
0x1e: {  	s7 =	smul.u32 @!p0 $0xF7A, s2;
	p2 =	seq.s32 @!p0 s5, $0x0  }
0x1f: {  	s9 =	smul.u32 $0xF7A, s1;
	s8 =	simm.s32 @!p0 $0x1BF5;
	p2 =	por !p2, p0  }
0x20: {  	[sflag:s8] =	ssyncset.s32 @!p0 $0xFFFFF086;
	s6 =	sadd.s32 @!p0 s3, s7;
	s7 =	simm.s32 @!p0 $0x108  }
0x21: {  	s3 =	sadd.s32 s3, s9;
	s6 =	sadd.s32 @!p0 $0x88, s6;
	s7 =	simm.s32 @p2 $0x1082  }
0x22: {  	[simem:s7], [sflag:s8] =	dma.local @!p0 [hbm:s6], $0xF7A  }
0x23: {  	s9 =	sor.u32 $0xD0000000, s2;
	s6 =	simm.s32 $0x108;
	_ =	swait.ge @!p0 [sflag:s8], $0x0  }
0x24: {  	s3 =	sadd.s32 $0x88, s3;
	s6 =	simm.s32 @!p1 $0x1082;
	[sflag:s4] =	ssyncset.s32 $0xFFFFF086  }
0x25: {  	[simem:s6], [sflag:s4] =	dma.local [hbm:s3], $0xF7A  }
0x26: {  	[smem:$0x3F9B] =	sst s1;
	(tag) =	ssettag s2;
	_ =	strace s9  }
0x27: {  	s1 =	sld [smem:$0x3FAB]  }
0x28: {  	s2 =	sld [smem:$0x3FAC]  }
0x29: {  	s4 =	sld [smem:$0x3FAE]  }
0x2a: {  	p0 =	seq.s32 s5, $0x0;
	s5 =	sld [smem:$0x3FAF]  }
0x2b: {  	s6 =	sld [smem:$0x3FB0]  }
0x2c: {  	s7 =	sld [smem:$0x3FB1]  }
0x2d: {  	s3 =	simm.s32 $0x108;
	s8 =	sld [smem:$0x3FB2]  }
0x2e: {  	s3 =	simm.s32 @!p0 $0x1082;
	s9 =	sld [smem:$0x3FB3]  }
0x2f: {  	lr =	sadd.s32 s0, s3;
	s0 =	sld [smem:$0x3FAA]  }
0x30: {  	s3 =	sld [smem:$0x3FAD]  }
0x31: {  	[smem:$0x3FB6] =	sst s10  }
0x32: {  	s10 =	sld [smem:$0x3FB4];
	_ =	sdelay $0x3  }
0x33: {  	p0 =	seq.s32 s10, $0x1;
	s10 =	sld [smem:$0x3FB6];
	_ =	sdelay $0x3  }
0x34: {  	[smem:$0x3FB6] =	sst s10  }
0x35: {  	s10 =	sld [smem:$0x3FB5];
	_ =	sdelay $0x3  }
0x36: {  	p1 =	seq.s32 s10, $0x1;
	s10 =	sld [smem:$0x3FB6];
	_ =	sdelay $0x3  }
0x37: {  	[smem:$0x3FB6] =	sst s10  }
0x38: {  	s10 =	sld [smem:$0x3FB7]  }
0x39: {  	_ = 	snop;
	(pc) =	sbr.ind lr, $3  }
0x3a: {  	_ = 	snop  }
0x3b: {  	_ = 	snop  }
0x3c: {  	p2 =	seq.s32 s10, $0x1;
	s10 =	sld [smem:$0x3FB6]  }
0x3d: {  	_ =	shalt  }
0x3e: {  	_ =	shalt  }
0x3f: {  	_ =	shalt  }
0x40: {  	_ =	shalt  }
0x41: {  	_ =	shalt  }
0x42: {  	_ =	shalt  }
0x43: {  	_ =	shalt  }
0x44: {  	_ =	shalt  }
0x45: {  	_ =	shalt  }
0x46: {  	_ =	shalt  }
0x47: {  	_ =	shalt  }
0x48: {  	_ =	shalt  }
0x49: {  	_ =	shalt  }
0x4a: {  	_ =	shalt  }
0x4b: {  	_ =	shalt  }
0x4c: {  	_ =	shalt  }
0x4d: {  	_ =	shalt  }
0x4e: {  	_ =	shalt  }
0x4f: {  	_ =	shalt  }
0x50: {  	_ =	shalt  }
0x51: {  	_ =	shalt  }
0x52: {  	_ =	shalt  }
0x53: {  	_ =	shalt  }
0x54: {  	_ =	shalt  }
0x55: {  	_ =	shalt  }
0x56: {  	_ =	shalt  }
0x57: {  	_ =	shalt  }
0x58: {  	_ =	shalt  }
0x59: {  	_ =	shalt  }
0x5a: {  	_ =	shalt  }
0x5b: {  	_ =	shalt  }
0x5c: {  	_ =	shalt  }
0x5d: {  	_ =	shalt  }
0x5e: {  	_ =	shalt  }
0x5f: {  	_ =	shalt  }
0x60: {  	_ =	shalt  }
0x61: {  	_ =	shalt  }
0x62: {  	_ =	shalt  }
0x63: {  	_ =	shalt  }
0x64: {  	_ =	shalt  }
0x65: {  	_ =	shalt  }
0x66: {  	_ =	shalt  }
0x67: {  	_ =	shalt  }
0x68: {  	_ =	shalt  }
0x69: {  	_ =	shalt  }
0x6a: {  	_ =	shalt  }
0x6b: {  	_ =	shalt  }
0x6c: {  	_ =	shalt  }
0x6d: {  	_ =	shalt  }
0x6e: {  	_ =	shalt  }
0x6f: {  	_ =	shalt  }
0x70: {  	_ =	shalt  }
0x71: {  	_ =	shalt  }
0x72: {  	_ =	shalt  }
0x73: {  	_ =	shalt  }
0x74: {  	_ =	shalt  }
0x75: {  	_ =	shalt  }
0x76: {  	_ =	shalt  }
0x77: {  	_ =	shalt  }
0x78: {  	_ =	shalt  }
0x79: {  	_ =	shalt  }
0x7a: {  	_ =	shalt  }
0x7b: {  	_ =	shalt  }
0x7c: {  	_ =	shalt  }
0x7d: {  	_ =	shalt  }
0x7e: {  	_ =	shalt  }
0x7f: {  	_ =	shalt  }
0x80: {  	_ =	shalt  }
0x81: {  	_ =	shalt  }
0x82: {  	_ =	shalt  }
0x83: {  	_ =	shalt  }
0x84: {  	_ =	shalt  }
0x85: {  	_ =	shalt  }
0x86: {  	_ =	shalt  }
0x87: {  	_ =	shalt  }
.Lfunc_end0:
.L_simem_size_0:
called_computation.1_lowered:
.L_overlay_start_0:
0x88: {  	s2 =	sld [smem:$0x3FD9]  }
0x89: {  	s3 =	sld [smem:$0x3FFE];
	_ =	sdelay $0x1  }
0x8a: {  	s1 =	srdreg.scid  }
0x8b: {  	s0 =	sand.u32 $0x1, s1  }
0x8c: {  	s17 =	sshll.u32 s0, $0xA;
	s2 =	sadd.s32 s3, s2  }
0x8d: {  	s2 =	sadd.s32 s2, s17  }
0x8e: {  	[smem:$0x3FC2] =	sst s2  }
0x8f: {  	_ = 	snop  }
0x90: {  	s2 =	sld [smem:$0x3FC9];
	(tm) =	ssettm $0x1  }
0x91: {  	s18 =	sld [smem:$0x3FFB];
	_ =	sdelay $0x3  }
0x92: {  	_ =	strace s18  }
0x93: {  	s3 =	sld [smem:$0x3FFC];
	_ =	sdelay $0x3  }
0x94: {  	_ =	strace s3  }
0x95: {  	s3 =	sld [smem:$0x3FFD];
	_ =	sdelay $0x3  }
0x96: {  	_ =	strace s3  }
0x97: {  	_ =	strace $0x8FFFFFFF  }
0x98: {  	s19 =	sld [smem:$0x3FDB];
	_ =	sdelay $0x1  }
0x99: {  	s4 =	simm.s32 $_scs_section_size  }
0x9a: {  	s5 =	simm.s32 $_size__tile_overlayer_lowered;
	s6 =	simm.s32 $_tile_overlayer_lowered  }
0x9b: {  	s22 =	simm.s32 $0x1BFF;
	s21 =	sshll.u32 s6, $0x1;
	s3 =	sadd.s32 s4, s19  }
0x9c: {  	s7 =	simm.s32 $0x0;
	s20 =	sshll.u32 s5, $0x1;
	s5 =	sadd.s32 s21, s3  }
0x9d: {  	[timem:s7], [sflag:s22] =	dma.local [hbm:s5], s20  }
0x9e: {  	_ =	swait.ge [sflag:s22], s20  }
0x9f: {  	s4 =	ssub.s32 $0x0, s20;
	[sflag:s22] =	ssyncset.done $0x0  }
0xa0: {  	[sflag:s22] =	ssyncadd.s32 s4;
	_ =	sdelay $0x1  }
0xa1: {  	s23 =	simm.s32 $0x1B8B  }
0xa2: {  	_ =	swait.ge [sflag:s23], $0x1  }
0xa3: {  	[sflag:s23] =	ssyncset.done $0x0  }
0xa4: {  	s25 =	simm.s32 $0x1B8E;
	s24 =	sld [smem:$0x3FFE];
	[sflag:s23] =	ssyncadd.s32 $0xFFFFFFFF  }
0xa5: {  	s26 =	simm.s32 $execute0_lowered;
	[smem:$0x3FD2] =	sst s25  }
0xa6: {  	s5 =	sshll.u32 s26, $0x1;
	_ =	strace $0x80000049;
	[dreg:$0x1] =	wrdreg $0xFFFFFFFF  }
0xa7: {  	s28 =	simm.s32 $_size_execute0_lowered;
	s3 =	sadd.s32 s3, s5;
	[dreg:$0x0] =	wrdreg $0x0  }
0xa8: {  	s5 =	sshll.u32 s28, $0x1;
	[dreg:$0x2] =	wrdreg s3  }
0xa9: {  	[dreg:$0x3] =	wrdreg s5  }
0xaa: {  	[dreg:$0x4] =	wrdreg $0xC0  }
0xab: {  	_ =	task [dreg:s7], $0x5FFFF  }
0xac: {  	[dreg:$0x1] =	wrdreg $0xFFFFFFFF  }
0xad: {  	[dreg:$0x0] =	wrdreg $0x60  }
0xae: {  	[dreg:$0x2] =	wrdreg s24  }
0xaf: {  	[dreg:$0x3] =	wrdreg s2  }
0xb0: {  	[dreg:$0x4] =	wrdreg $0x9  }
0xb1: {  	_ =	task.clear_ibuf [dreg:s7], $0x5FFFF;
	_ =	strace $0x90000049  }
0xb2: {  	s29 =	simm.s32 $0x9;
	_ =	strace $0x8000004B  }
0xb3: {  	_ =	swait.ge [sflag:s29], $0x1  }
0xb4: {  	[sflag:s29] =	ssyncadd.s32 $0xFFFFFFFF  }
0xb5: {  	_ =	strace $0x9000004B  }
0xb6: {  	_ =	sfence  }
0xb7: {  	s30 =	sld [smem:$0x0];
	_ =	sdelay $0x2  }
0xb8: {  	s31 =	sshll.u32 s1, $0xD;
	s1 =	sshrl.u32 s1, $0x2  }
0xb9: {  	s3 =	sand.u32 $0x4000, s31;
	s1 =	sadd.s32 s1, s30  }
0xba: {  	s0 =	sor.u32 s3, s0;
	s1 =	sshll.u32 s1, $0x11  }
0xbb: {  	s0 =	sor.u32 s1, s0  }
0xbc: {  	s0 =	sadd.s32 $0x8F2B, s0  }
0xbd: {  	[sflag:s0] =	ssyncadd.remote.s32 $0x1  }
0xbe: {  	_ =	sfence.sel $0xFFFF  }
0xbf: {  	[dreg:$0x0] =	wrdreg $0xFFFFFFFF;
	(pc) =	sbr.abs _section_cstart, $3  }
0xc0: {  	[dreg:$0x1] =	wrdreg $0xFFFFFFFF  }
0xc1: {  	_ =	task.clear_ibuf [dreg:s7], $0x2FFFF;
	_ =	strace $0x9FFFFFFF  }
0xc2: {  	(tm) =	ssettm $0x7FFFFFFF  }
0xc3: {  	_ =	shalt  }
tec
execute0_lowered:
.L_overlay_start_1:
0x0: {  	(tag) =	ssettag $0x1  }
0x1: {  	s0 =	rddreg [dreg:$0x0]  }
0x2: {  	s1 =	rddreg [dreg:$0x1]  }
0x3: {  	s3 =	srdreg.scid;
	s4 =	stileid.u32;
	s2 =	simm.s32 $0x0  }
0x4: {  	s14 =	simm.s32 $0x2;
	s15 =	simm.s32 $0x80;
	s22 =	simm.s32 $0x1  }
0x5: {  	s5 =	sand.u32 $0x1, s3;
	s23 =	sshll.u32 s4, $0x1;
	[smem:$0x7FF] =	sst s2  }
0x6: {  	s24 =	sadd.s32 $0x3200, s0;
	s4 =	sadd.s32 $0x3400, s0;
	s25 =	sadd.s32 $0x93400, s0  }
0x7: {  	s26 =	sadd.s32 $0x93600, s0;
	s28 =	sadd.s32 $0x93800, s0;
	s11 =	sadd.s32 $0x3500, s0  }
0x8: {  	s6 =	sor.u32 s5, s23;
	_ =	strace $0x8000004A;
	[dreg:$0x3] =	wrdreg s24  }
0x9: {  	s5 =	ssub.s32 $0x2, s5;
	[dreg:$0x4] =	wrdreg s25;
	s7 =	sshll.u32 s6, $0x3  }
0xa: {  	[dreg:$0x5] =	wrdreg s26;
	s10 =	smul.u32 $0x1800, s6;
	s7 =	sadd.s32 s7, s0  }
.Ltmp0:
0xb: {  	v0 =	vlaneseq.u32;
	[dreg:$0x6] =	wrdreg s28;
	s29 =	sadd.s32 $0x3000, s7;
	(pc) =	sbr.rel .LBB2_1-.Ltmp0, $4  }
0xc: {  	v4 =	vimm.s32 $0x0;
	vm2 =	vmmov $0xffff;
	v1 =	vmul.u32 $0x80, v0;
	s8 =	sshrl.u32 s5, $0x1;
	s30 =	sadd.s32 $0x93A00, s7;
	[dreg:$0x7] =	wrdreg s29  }
0xd: {  	v2 =	vor.u32 $0x10, v0;
	v5 =	vand.u32 $0x7, v0;
	v6 =	vshrl.u32 v0, $0x3;
	s5 =	ssub.s32 s5, s8;
	s1 =	sadd.s32 s1, s10;
	[dreg:$0x8] =	wrdreg s30  }
0xe: {  	s12 =	sadd.s32 $0x3600, s0;
	v7 =	vor.u32 $0x8, v0;
	v6 =	vmul.u32 $0x8, v6;
	v3 =	vmov s6;
	s31 =	smax.u32 s5, $0x1;
	[dreg:$0x9] =	wrdreg s1  }
0xf: {  	s23 =	simm.s32 $0x0;
	p0 =	sne.s32 s6, $0x0;
	vm0 =	vgt.u32 v3, v2;
	vm1 =	vgt.u32 v3, v0;
	v3 =	vor.u32 $0x800, v1;
	[dreg:$0xa] =	wrdreg s31  }
.LBB2_13:
0x10: {  	s23 =	sadd.s32 $0x1, s23;
	s0 =	rddreg [dreg:$0xa]  }
0x11: {  	p1 =	sne.s32 s23, s0  }
.Ltmp1:
0x12: {  	_ = 	snop;
	(pc) =	sbr.rel @!p1 .LBB2_14-.Ltmp1, $1  }
0x13: {  	_ =	sdelay $0x3  }
.LBB2_1:
0x14: {  	s0 =	rddreg [dreg:$0x7]  }
0x15: {  	[tilespmem:s2], [sflag:$0x2] =	stream.linear.gather [hbm4b:s0+s2], $0x40, $0x38;
	[tilespmem:$0xD280] =	vst v63  }
0x16: {  	_ =	swait.ge [sflag:s14], $0x40  }
0x17: {  	[sflag:s14] =	ssyncset.done $0x0  }
0x18: {  	v8 =	vor.u32 s2, v1;
	s20 =	rddreg [dreg:$0x3];
	[sflag:s14] =	ssyncadd.s32 $0xFFFFFFC0  }
0x19: {  	v9 =	vor.u32 s2, v3;
	[tilespmem:s15], [sflag:$0x2] =	stream.linear.gather [hbm4b:s20+s2], $0x1000, $0x38;
	[tilespmem:$0xD280] =	vst v63  }
0x1a: {  	_ =	swait.ge [sflag:s14], $0x1000  }
0x1b: {  	[sflag:s14] =	ssyncset.done $0x0  }
0x1c: {  	[sflag:s14] =	ssyncadd.s32 $0xFFFFF000  }
0x1d: {  	v8 =	vld.idx.msk [tilespmem:v8+s15+$0x0], $0xffff  }
0x1e: {  	v9 =	vld.idx.msk [tilespmem:v9+s15+$0x0], $0xffff;
	_ =	sdelay $0x1  }
0x1f: {  	s24 =	simm.s32 $0x1  }
0x20: {  	v10 =	vor.u32 s24, v1  }
0x21: {  	v11 =	vnsel vm1, $0x0, v8;
	(xrf0) =	vadd.scan.msk.s32 $0xffff, v8;
	v8 =	vor.u32 s24, v3  }
0x22: {  	v12 =	vnsel vm0, $0x0, v9;
	(xrf0) =	vadd.scan.msk.s32 $0xffff, v11  }
0x23: {  	(xrf0) =	vadd.scan.msk.s32 $0xffff, v12  }
0x24: {  	s25 =	simm.s32 $0x2  }
0x25: {  	v10 =	vld.idx.msk [tilespmem:v10+s15+$0x0], $0xffff;
	(xrf0) =	vadd.scan.msk.s32 $0xffff, v9;
	v9 =	vor.u32 s25, v1  }
0x26: {  	v11 =	vor.u32 s25, v3;
	v8 =	vld.idx.msk [tilespmem:v8+s15+$0x0], $0xffff  }
0x27: {  	v12, _, _ =	vpop (xrf0)  }
0x28: {  	(v2sf) =	vpush v12, $0xF;
	v12, _, _ =	vpop (xrf0)  }
0x29: {  	(v2sf) =	vpush v12, $0xF;
	v12, _, _ =	vpop (xrf0)  }
0x2a: {  	(xrf0) =	vadd.scan.msk.s32 $0xffff, v10;
	v9 =	vld.idx.msk [tilespmem:v9+s15+$0x0], $0xffff;
	(v2sf) =	vpush v12, $0xF;
	v12 =	vnsel vm1, $0x0, v10  }
0x2b: {  	s26 =	simm.s32 $0x3;
	v10 =	vld.idx.msk [tilespmem:v11+s15+$0x0], $0xffff;
	v11 =	vnsel vm0, $0x0, v8;
	(xrf0) =	vadd.scan.msk.s32 $0xffff, v12  }
0x2c: {  	(xrf0) =	vadd.scan.msk.s32 $0xffff, v11;
	v11 =	vor.u32 s26, v1;
	_ =	sdelay $0x2  }
0x2d: {  	v13, _, _ =	vpop (xrf0);
	(xrf0) =	vadd.scan.msk.s32 $0xffff, v8;
	v12 =	vnsel vm1, $0x0, v9  }
0x2e: {  	(xrf0) =	vadd.scan.msk.s32 $0xffff, v9;
	v9 =	vnsel vm0, $0x0, v10  }
0x2f: {  	(xrf0) =	vadd.scan.msk.s32 $0xffff, v12;
	v11 =	vld.idx.msk [tilespmem:v11+s15+$0x0], $0xffff  }
0x30: {  	(v2sf) =	vpush v13, $0xF;
	(xrf0) =	vadd.scan.msk.s32 $0xffff, v9;
	v12, _, _ =	vpop (xrf0)  }
0x31: {  	(v2sf) =	vpush v12, $0xF;
	v9, _, _ =	vpop (xrf0);
	(xrf0) =	vadd.scan.msk.s32 $0xffff, v10  }
0x32: {  	v8 =	vor.u32 s26, v3;
	v10, _, _ =	vpop (xrf0);
	(v2sf) =	vpush v9, $0xF  }
0x33: {  	v9, _, _ =	vpop (xrf0);
	(v2sf) =	vpush v10, $0xF  }
0x34: {  	(v2sf) =	vpush v9, $0xF;
	v12, _, _ =	vpop (xrf0);
	v13 =	vnsel vm1, $0x0, v11  }
0x35: {  	(v2sf) =	vpush v12, $0xF;
	v12, _, _ =	vpop (xrf0)  }
0x36: {  	(xrf0) =	vadd.scan.msk.s32 $0xffff, v11;
	(v2sf) =	vpush v12, $0xF;
	v11, _, _ =	vpop (xrf0)  }
0x37: {  	s28 =	simm.s32 $0x4;
	v8 =	vld.idx.msk [tilespmem:v8+s15+$0x0], $0xffff;
	s30 =	spop (v2sf);
	(xrf0) =	vadd.scan.msk.s32 $0xffff, v13;
	(v2sf) =	vpush v11, $0xF;
	v13, _, _ =	vpop (xrf0)  }
0x38: {  	v10 =	vor.u32 s28, v1;
	s21 =	spop (v2sf);
	(v2sf) =	vpush v13, $0xF  }
0x39: {  	v9 =	vor.u32 s28, v3;
	_ =	sdelay $0x2  }
0x3a: {  	v14 =	vnsel vm0, $0x0, v8  }
0x3b: {  	s29 =	simm.s32 $0x5;
	(xrf0) =	vadd.scan.msk.s32 $0xffff, v14;
	v14 =	vmov s2;
	v11 =	vld.idx.msk [tilespmem:v10+s15+$0x0], $0xffff  }
0x3c: {  	v12 =	vor.u32 s29, v1;
	s31 =	spop (v2sf);
	(xrf0) =	vadd.scan.msk.s32 $0xffff, v8;
	vm3 =	veq.s32 v14, v0;
	v10 =	vld.idx.msk [tilespmem:v9+s15+$0x0], $0xffff  }
0x3d: {  	s1 =	simm.s32 $0x6;
	v8 =	vimm.s32 $0x0;
	v13 =	vor.u32 s29, v3;
	s31 =	sadd.s32 s21, s31;
	s0 =	spop (v2sf);
	v9 =	vimm.s32 $0x0  }
.LBB2_2:
0x3e: {  	p1 =	sne.s32 s1, $0xF;
	s0 =	sadd.s32 s30, s0;
	v8 =	vsel vm3, s31, v8;
	s31 =	smov.u32 s26  }
0x3f: {  	s26 =	smov.u32 s28;
	s28 =	smov.u32 s29;
	s29 =	smov.u32 s1;
	v14, _, _ =	vpop (xrf0);
	v9 =	vsel vm3, s0, v9  }
.Ltmp2:
0x40: {  	v16 =	vnsel vm1, $0x0, v11;
	(xrf0) =	vadd.scan.msk.s32 $0xffff, v11;
	(v2sf) =	vpush v14, $0xF;
	v14, _, _ =	vpop (xrf0);
	(pc) =	sbr.rel @p1 .LBB2_2-.Ltmp2, $4  }
0x41: {  	v15 =	vmov v10;
	v11 =	vld.idx.msk [tilespmem:v12+s15+$0x0], $0xffff;
	v12 =	vnsel vm0, $0x0, v10;
	(xrf0) =	vadd.scan.msk.s32 $0xffff, v16;
	(v2sf) =	vpush v14, $0xF;
	v14, _, _ =	vpop (xrf0);
	s30 =	spop (v2sf)  }
0x42: {  	v10 =	vld.idx.msk [tilespmem:v13+s15+$0x0], $0xffff;
	(xrf0) =	vadd.scan.msk.s32 $0xffff, v12;
	v13, _, _ =	vpop (xrf0);
	(v2sf) =	vpush v14, $0xF;
	s0 =	spop (v2sf)  }
0x43: {  	v12 =	vor.u32 s1, v1;
	v14 =	vmov s24;
	s24 =	smov.u32 s25;
	s25 =	smov.u32 s31;
	(xrf0) =	vadd.scan.msk.s32 $0xffff, v15;
	(v2sf) =	vpush v13, $0xF;
	s5 =	spop (v2sf)  }
0x44: {  	s1 =	sadd.s32 $0x1, s1;
	v13 =	vor.u32 s29, v3;
	vm3 =	veq.s32 v14, v0;
	s31 =	sadd.s32 s0, s5;
	s0 =	spop (v2sf)  }
0x45: {  	_ = 	snop  }
0x46: {  	_ =	sdelay $0x3  }
0x47: {  	v12 =	vld.idx.msk [tilespmem:v12+s15+$0x0], $0xffff;
	v14 =	vnsel vm1, $0x0, v11  }
0x48: {  	(xrf0) =	vadd.scan.msk.s32 $0xffff, v11;
	v11 =	vld.idx.msk [tilespmem:v13+s15+$0x0], $0xffff;
	v13 =	vnsel vm0, $0x0, v10;
	_ =	sdelay $0x1  }
0x49: {  	(xrf0) =	vadd.scan.msk.s32 $0xffff, v14;
	v14, _, _ =	vpop (xrf0)  }
0x4a: {  	(xrf0) =	vadd.scan.msk.s32 $0xffff, v13;
	(v2sf) =	vpush v14, $0xF;
	v13, _, _ =	vpop (xrf0)  }
0x4b: {  	(xrf0) =	vadd.scan.msk.s32 $0xffff, v10;
	(v2sf) =	vpush v13, $0xF;
	v10, _, _ =	vpop (xrf0)  }
0x4c: {  	v13 =	vnsel vm1, $0x0, v12;
	(xrf0) =	vadd.scan.msk.s32 $0xffff, v12;
	(v2sf) =	vpush v10, $0xF;
	v10 =	vnsel vm0, $0x0, v11  }
0x4d: {  	v12, _, _ =	vpop (xrf0);
	(xrf0) =	vadd.scan.msk.s32 $0xffff, v13  }
0x4e: {  	(v2sf) =	vpush v12, $0xF;
	v12, _, _ =	vpop (xrf0);
	(xrf0) =	vadd.scan.msk.s32 $0xffff, v10  }
0x4f: {  	(v2sf) =	vpush v12, $0xF;
	v10, _, _ =	vpop (xrf0);
	(xrf0) =	vadd.scan.msk.s32 $0xffff, v11  }
0x50: {  	v11, _, _ =	vpop (xrf0);
	(v2sf) =	vpush v10, $0xF  }
0x51: {  	v10, _, _ =	vpop (xrf0);
	(v2sf) =	vpush v11, $0xF  }
0x52: {  	s1 =	spop (v2sf);
	(v2sf) =	vpush v10, $0xF;
	v10, _, _ =	vpop (xrf0)  }
0x53: {  	s5 =	spop (v2sf);
	(v2sf) =	vpush v10, $0xF;
	v10, _, _ =	vpop (xrf0)  }
0x54: {  	s6 =	spop (v2sf);
	(v2sf) =	vpush v10, $0xF;
	v10, _, _ =	vpop (xrf0)  }
0x55: {  	s7 =	spop (v2sf);
	v11, _, _ =	vpop (xrf0);
	(v2sf) =	vpush v10, $0xF  }
0x56: {  	s16 =	spop (v2sf);
	(v2sf) =	vpush v11, $0xF  }
0x57: {  	s18 =	spop (v2sf)  }
0x58: {  	s19 =	spop (v2sf)  }
0x59: {  	s20 =	spop (v2sf)  }
0x5a: {  	s21 =	spop (v2sf)  }
0x5b: {  	s3 =	spop (v2sf)  }
0x5c: {  	s17 =	spop (v2sf)  }
0x5d: {  	s8 =	spop (v2sf)  }
0x5e: {  	s9 =	spop (v2sf)  }
0x5f: {  	s10 =	spop (v2sf)  }
0x60: {  	s13 =	spop (v2sf)  }
0x61: {  	s0 =	sadd.s32 s30, s0;
	v10 =	vmov s24;
	s24 =	spop (v2sf)  }
0x62: {  	v9 =	vsel vm3, s0, v9;
	s7 =	sadd.s32 s1, s7;
	vm4 =	veq.s32 v10, v0;
	v10 =	vmov s25;
	s25 =	spop (v2sf)  }
0x63: {  	s30 =	sadd.s32 s16, s20;
	v9 =	vsel vm4, s7, v9;
	vm5 =	veq.s32 v10, v0;
	v10 =	vmov s26;
	s7 =	spop (v2sf)  }
0x64: {  	v9 =	vsel vm5, s30, v9;
	vm6 =	veq.s32 v10, v0;
	v10 =	vmov s28;
	s8 =	sadd.s32 s21, s8;
	s16 =	spop (v2sf)  }
0x65: {  	vm7 =	veq.s32 v10, v0;
	v10 =	vmov s29;
	v9 =	vsel vm6, s8, v9;
	s20 =	sadd.s32 s9, s24;
	s21 =	spop (v2sf)  }
0x66: {  	vm8 =	veq.s32 v10, v0;
	v9 =	vsel vm7, s20, v9;
	s24 =	sadd.s32 s25, s21  }
0x67: {  	v9 =	vsel vm8, s24, v9  }
0x68: {  	v13 =	vld [tilespmem:$0x0];
	v9 =	vadd.s32 $0xFF, v9  }
0x69: {  	v9 =	vand.u32 $0xFFFFFF00, v9  }
0x6a: {  	v8 =	vsel vm3, s31, v8;
	s26 =	sadd.s32 s5, s6;
	(xrf0) =	vadd.scan.msk.s32 $0xffff, v9  }
0x6b: {  	v8 =	vsel vm4, s26, v8;
	s28 =	sadd.s32 s18, s19  }
0x6c: {  	v8 =	vsel vm5, s28, v8;
	s29 =	sadd.s32 s3, s17;
	s25 =	simm.s32 $0x0  }
0x6d: {  	v8 =	vsel vm6, s29, v8;
	vm3 =	veq.s32 v13, s25  }
0x6e: {  	v11 =	vsel vm3, $0x1, v4  }
0x6f: {  	s30 =	sadd.s32 s10, s13;
	(xrf0) =	vadd.scan.msk.s32 $0xffff, v11  }
0x70: {  	v12 =	vshrl.u32 v13, $0x1B;
	v10 =	vsel vm7, s30, v8;
	s31 =	sadd.s32 s7, s16;
	v8, _, _ =	vpop (xrf0)  }
0x71: {  	v12 =	vand.u32 $0x10, v12;
	v10 =	vsel vm8, s31, v10;
	v9 =	vsub.s32 v8, v9  }
0x72: {  	v10 =	vadd.s32 v10, v9;
	v9 =	vadd.s32 v13, v12;
	_ =	sdelay $0x1  }
0x73: {  	v16 =	vimm.s32 $0x0  }
0x74: {  	s0 =	simm.s32 $0x1;
	v12 =	vld [tilespmem:$0x10];
	v14 =	vperm.xlane v10, v9;
	v15 =	vperm.xlane v16, v9;
	v9, _, _ =	vpop (xrf0)  }
0x75: {  	vm4 =	veq.s32 v13, s0;
	v19 =	vsub.s32 v9, v11;
	v11 =	vld [tilespmem:$0x20]  }
0x76: {  	v17 =	vsel vm4, $0x1, v4;
	v20 =	vbroadcast v9, $0xF;
	v9 =	vld [tilespmem:$0x30]  }
0x77: {  	(xrf0) =	vadd.scan.msk.s32 $0xffff, v17  }
0x78: {  	v18 =	vmov s25;
	vm3 =	vmmov vm3  }
0x79: {  	vm5 =	veq.s32 v18, v0;
	v19 =	vnsel vm3, $0x0, v19  }
0x7a: {  	s1 =	simm.s32 $0x2;
	vm3 =	vmmov vm4;
	v18 =	vadd.s32 v16, v19;
	v19 =	vnsel vm5, $0x0, v20  }
.LBB2_4:
0x7b: {  	vm4 =	veq.s32 v13, s1;
	p1 =	sne.s32 s1, $0xF;
	v16 =	vadd.s32 v16, v19;
	s3 =	smov.u32 s1;
	s1 =	sadd.s32 $0x1, s1  }
.Ltmp3:
0x7c: {  	v19 =	vsel vm4, $0x1, v4;
	(pc) =	sbr.rel @p1 .LBB2_4-.Ltmp3, $4  }
0x7d: {  	(xrf0) =	vadd.scan.msk.s32 $0xffff, v19;
	v20, _, _ =	vpop (xrf0)  }
0x7e: {  	v21 =	vmov s0;
	s0 =	smov.u32 s3;
	v22 =	vsub.s32 v20, v17;
	v20 =	vbroadcast v20, $0xF;
	v17 =	vmovc v19  }
0x7f: {  	vm5 =	veq.s32 v21, v0;
	v19 =	vnsel vm3, $0x0, v22;
	vm3 =	vmmov vm4  }
0x80: {  	v18 =	vadd.s32 v18, v19;
	v19 =	vnsel vm5, $0x0, v20  }
0x81: {  	s1 =	simm.s32 $0x0  }
0x82: {  	vm4 =	veq.s32 v12, s1  }
0x83: {  	v20 =	vsel vm4, $0x1, v4  }
0x84: {  	v13 =	vadd.s32 v16, v19;
	v16, _, _ =	vpop (xrf0);
	(xrf0) =	vadd.scan.msk.s32 $0xffff, v20  }
0x85: {  	v17 =	vsub.s32 v16, v17  }
0x86: {  	v19 =	vmov s0;
	v16 =	vbroadcast v16, $0xF;
	v17 =	vnsel vm3, $0x0, v17  }
0x87: {  	vm3 =	veq.s32 v19, v0;
	v17 =	vadd.s32 v18, v17  }
0x88: {  	v16 =	vnsel vm3, $0x0, v16  }
0x89: {  	s0 =	simm.s32 $0x1;
	v19 =	vshrl.u32 v12, $0x1B;
	v16 =	vadd.s32 v13, v16;
	v13 =	vadd.s32 v14, v15  }
0x8a: {  	vm3 =	vmmov vm4;
	vm4 =	veq.s32 v12, s0;
	v15 =	vadd.s32 v17, v13;
	v17, _, _ =	vpop (xrf0)  }
0x8b: {  	v20 =	vsub.s32 v17, v20;
	v21 =	vbroadcast v17, $0xF;
	v17 =	vsel vm4, $0x1, v4  }
0x8c: {  	v18 =	vand.u32 $0x10, v19;
	v19 =	vmov s1;
	(xrf0) =	vadd.scan.msk.s32 $0xffff, v17  }
0x8d: {  	v14 =	vadd.s32 v12, v18;
	v18 =	vimm.s32 $0x0;
	vm5 =	veq.s32 v19, v0  }
0x8e: {  	v13 =	vperm.xlane v10, v14;
	v14 =	vperm.xlane v16, v14;
	[tilespmem:$0x1080] =	vst v15;
	v15 =	vnsel vm3, $0x0, v20  }
0x8f: {  	s1 =	simm.s32 $0x2;
	vm3 =	vmmov vm4;
	v15 =	vadd.s32 v18, v15;
	v18 =	vnsel vm5, $0x0, v21  }
.LBB2_6:
0x90: {  	vm4 =	veq.s32 v12, s1;
	p1 =	sne.s32 s1, $0xF;
	v16 =	vadd.s32 v16, v18;
	s3 =	smov.u32 s1;
	s1 =	sadd.s32 $0x1, s1  }
.Ltmp4:
0x91: {  	v18 =	vsel vm4, $0x1, v4;
	(pc) =	sbr.rel @p1 .LBB2_6-.Ltmp4, $4  }
0x92: {  	(xrf0) =	vadd.scan.msk.s32 $0xffff, v18;
	v19, _, _ =	vpop (xrf0)  }
0x93: {  	v20 =	vmov s0;
	s0 =	smov.u32 s3;
	v21 =	vsub.s32 v19, v17;
	v19 =	vbroadcast v19, $0xF;
	v17 =	vmovc v18  }
0x94: {  	vm5 =	veq.s32 v20, v0;
	v18 =	vnsel vm3, $0x0, v21;
	vm3 =	vmmov vm4  }
0x95: {  	v15 =	vadd.s32 v15, v18;
	v18 =	vnsel vm5, $0x0, v19  }
0x96: {  	s1 =	simm.s32 $0x0  }
0x97: {  	vm4 =	veq.s32 v11, s1  }
0x98: {  	v19 =	vsel vm4, $0x1, v4  }
0x99: {  	v12 =	vadd.s32 v16, v18;
	v16, _, _ =	vpop (xrf0);
	(xrf0) =	vadd.scan.msk.s32 $0xffff, v19  }
0x9a: {  	v18 =	vmov s0;
	v17 =	vsub.s32 v16, v17;
	v16 =	vbroadcast v16, $0xF  }
0x9b: {  	v17 =	vnsel vm3, $0x0, v17;
	vm3 =	veq.s32 v18, v0;
	v18 =	vshrl.u32 v11, $0x1B  }
0x9c: {  	v17 =	vadd.s32 v15, v17;
	v15 =	vnsel vm3, $0x0, v16;
	v16 =	vand.u32 $0x10, v18  }
0x9d: {  	s0 =	simm.s32 $0x1  }
0x9e: {  	vm3 =	vmmov vm4;
	vm4 =	veq.s32 v11, s0  }
0x9f: {  	v15 =	vadd.s32 v12, v15;
	v12 =	vadd.s32 v13, v14;
	v13 =	vadd.s32 v11, v16;
	v16, _, _ =	vpop (xrf0)  }
0xa0: {  	v19 =	vsub.s32 v16, v19;
	v20 =	vbroadcast v16, $0xF;
	v16 =	vsel vm4, $0x1, v4  }
0xa1: {  	v18 =	vmov s1;
	(xrf0) =	vadd.scan.msk.s32 $0xffff, v16  }
0xa2: {  	vm5 =	veq.s32 v18, v0;
	v14 =	vadd.s32 v17, v12;
	v12 =	vperm.xlane v10, v13  }
0xa3: {  	v13 =	vperm.xlane v15, v13;
	v17 =	vimm.s32 $0x0;
	[tilespmem:$0x1090] =	vst v14;
	v14 =	vnsel vm3, $0x0, v19  }
0xa4: {  	s1 =	simm.s32 $0x2;
	vm3 =	vmmov vm4;
	v14 =	vadd.s32 v17, v14;
	v17 =	vnsel vm5, $0x0, v20  }
.LBB2_8:
0xa5: {  	vm4 =	veq.s32 v11, s1;
	p1 =	sne.s32 s1, $0xF;
	v15 =	vadd.s32 v15, v17;
	s3 =	smov.u32 s1;
	s1 =	sadd.s32 $0x1, s1  }
.Ltmp5:
0xa6: {  	v17 =	vsel vm4, $0x1, v4;
	(pc) =	sbr.rel @p1 .LBB2_8-.Ltmp5, $4  }
0xa7: {  	(xrf0) =	vadd.scan.msk.s32 $0xffff, v17;
	v18, _, _ =	vpop (xrf0)  }
0xa8: {  	v19 =	vmov s0;
	s0 =	smov.u32 s3;
	v20 =	vsub.s32 v18, v16;
	v18 =	vbroadcast v18, $0xF;
	v16 =	vmovc v17  }
0xa9: {  	vm5 =	veq.s32 v19, v0;
	v17 =	vnsel vm3, $0x0, v20;
	vm3 =	vmmov vm4  }
0xaa: {  	v14 =	vadd.s32 v14, v17;
	v17 =	vnsel vm5, $0x0, v18  }
0xab: {  	_ =	sdelay $0x1  }
0xac: {  	v62 =	vmov s0;
	v63 =	vshrl.u32 v9, $0x1B;
	v11, _, _ =	vpop (xrf0)  }
0xad: {  	v12 =	vadd.s32 v12, v13;
	v16 =	vsub.s32 v11, v16;
	v11 =	vbroadcast v11, $0xF  }
0xae: {  	s31 =	simm.s32 $0x0;
	v13 =	vand.u32 $0x10, v63;
	v16 =	vnsel vm3, $0x0, v16;
	vm3 =	veq.s32 v62, v0  }
0xaf: {  	v14 =	vadd.s32 v14, v16;
	v11 =	vnsel vm3, $0x0, v11;
	vm3 =	veq.s32 v9, s31  }
0xb0: {  	v12 =	vadd.s32 v14, v12;
	v14 =	vadd.s32 v9, v13;
	v13 =	vsel vm3, $0x1, v4  }
0xb1: {  	(xrf0) =	vadd.scan.msk.s32 $0xffff, v13  }
0xb2: {  	v15 =	vadd.s32 v15, v17  }
0xb3: {  	v11 =	vadd.s32 v15, v11;
	vm3 =	vmmov vm3  }
0xb4: {  	s0 =	simm.s32 $0x1;
	[tilespmem:$0x10A0] =	vst v12;
	v10 =	vperm.xlane v10, v14;
	v11 =	vperm.xlane v11, v14;
	v12 =	vimm.s32 $0x0  }
.LBB2_10:
0xb5: {  	vm4 =	veq.s32 v9, s0;
	p1 =	sne.s32 s0, $0xF;
	s0 =	sadd.s32 $0x1, s0  }
.Ltmp6:
0xb6: {  	v14 =	vsel vm4, $0x1, v4;
	(pc) =	sbr.rel @p1 .LBB2_10-.Ltmp6, $4  }
0xb7: {  	(xrf0) =	vadd.scan.msk.s32 $0xffff, v14;
	v15, _, _ =	vpop (xrf0)  }
0xb8: {  	v15 =	vsub.s32 v15, v13;
	v13 =	vmov v14  }
0xb9: {  	v14 =	vnsel vm3, $0x0, v15;
	vm3 =	vmmov vm4  }
0xba: {  	v12 =	vadd.s32 v12, v14  }
0xbb: {  	_ =	sdelay $0x1  }
0xbc: {  	v9, _, _ =	vpop (xrf0)  }
0xbd: {  	v9 =	vsub.s32 v9, v13  }
0xbe: {  	v9 =	vnsel vm3, $0x0, v9  }
0xbf: {  	v10 =	vadd.s32 v10, v11;
	v9 =	vadd.s32 v12, v9  }
0xc0: {  	v9 =	vadd.s32 v9, v10  }
0xc1: {  	s0 =	rddreg [dreg:$0x8];
	s1 =	simm.s32 $0x1080;
	[tilespmem:$0x10B0] =	vst v9  }
0xc2: {  	[hbm4b:s0+s2] =	stream.linear.scatter [tilespmem:s1], [sflag:$0x2], $0x40, $0x38;
	[tilespmem:$0xD280] =	vst v63  }
0xc3: {  	_ =	swait.ge [sflag:s14], $0x40  }
0xc4: {  	[sflag:s14] =	ssyncset.done $0x0  }
0xc5: {  	s30 =	simm.s32 $0x1280;
	s29 =	rddreg [dreg:$0x9];
	[sflag:s14] =	ssyncadd.s32 $0xFFFFFFC0  }
0xc6: {  	[tilespmem:s30], [sflag:$0x2] =	stream.linear.gather [hbm4b:s29+s2], $0xC000, $0x38;
	[tilespmem:$0xD280] =	vst v63  }
0xc7: {  	_ =	swait.ge [sflag:s14], $0xC000  }
0xc8: {  	[sflag:s14] =	ssyncset.done $0x0  }
0xc9: {  	[sflag:s14] =	ssyncadd.s32 $0xFFFF4000  }
0xca: {  	v9 =	vld [tilespmem:$0x1080];
	_ =	sdelay $0x4  }
0xcb: {  	v10 =	vshrl.u32 v9, $0x3  }
0xcc: {  	v10 =	vmul.u32 $0x30, v10  }
0xcd: {  	v9 =	vand.u32 $0x7, v9  }
0xce: {  	v9 =	vor.u32 v9, v10  }
0xcf: {  	v10 =	vperm.xlane v9, v5;
	_ =	sdelay $0x1  }
0xd0: {  	v10 =	vadd.s32 v6, v10;
	_ =	sdelay $0x3  }
0xd1: {  	v9 =	vperm.xlane v9, v7  }
0xd2: {  	[hbm4b:s4+s2] =	stream.indirect_vreg.scatter [tilespmem:s30], [sflag:$0x1], $0x80, v10, vm2, $0xb8;
	[tilespmem:$0xD280] =	vst v63  }
0xd3: {  	s31 =	simm.s32 $0x1A80;
	v9 =	vadd.s32 v6, v9  }
0xd4: {  	[hbm4b:s11+s2] =	stream.indirect_vreg.scatter [tilespmem:s31], [sflag:$0x1], $0x80, v10, vm2, $0xb8;
	[tilespmem:$0xD280] =	vst v63  }
0xd5: {  	s1 =	simm.s32 $0x2280  }
0xd6: {  	[hbm4b:s12+s2] =	stream.indirect_vreg.scatter [tilespmem:s1], [sflag:$0x1], $0x80, v10, vm2, $0xb8;
	[tilespmem:$0xD280] =	vst v63  }
0xd7: {  	s3 =	simm.s32 $0x2A80  }
0xd8: {  	[hbm4b:s4+s2] =	stream.indirect_vreg.scatter [tilespmem:s3], [sflag:$0x1], $0x80, v9, vm2, $0xb8;
	[tilespmem:$0xD280] =	vst v63  }
0xd9: {  	s5 =	simm.s32 $0x3280  }
0xda: {  	[hbm4b:s11+s2] =	stream.indirect_vreg.scatter [tilespmem:s5], [sflag:$0x1], $0x80, v9, vm2, $0xb8;
	[tilespmem:$0xD280] =	vst v63  }
0xdb: {  	s6 =	simm.s32 $0x3A80  }
0xdc: {  	[hbm4b:s12+s2] =	stream.indirect_vreg.scatter [tilespmem:s6], [sflag:$0x1], $0x80, v9, vm2, $0xb8;
	[tilespmem:$0xD280] =	vst v63  }
0xdd: {  	v9 =	vld [tilespmem:$0x1090];
	_ =	sdelay $0x4  }
0xde: {  	v10 =	vshrl.u32 v9, $0x3  }
0xdf: {  	v10 =	vmul.u32 $0x30, v10  }
0xe0: {  	v9 =	vand.u32 $0x7, v9  }
0xe1: {  	v9 =	vor.u32 v9, v10  }
0xe2: {  	v10 =	vperm.xlane v9, v5;
	_ =	sdelay $0x1  }
0xe3: {  	v10 =	vadd.s32 v6, v10;
	_ =	sdelay $0x3  }
0xe4: {  	s7 =	simm.s32 $0x4280;
	v9 =	vperm.xlane v9, v7  }
0xe5: {  	[hbm4b:s4+s2] =	stream.indirect_vreg.scatter [tilespmem:s7], [sflag:$0x1], $0x80, v10, vm2, $0xb8;
	[tilespmem:$0xD280] =	vst v63  }
0xe6: {  	s8 =	simm.s32 $0x4A80;
	v9 =	vadd.s32 v6, v9  }
0xe7: {  	[hbm4b:s11+s2] =	stream.indirect_vreg.scatter [tilespmem:s8], [sflag:$0x1], $0x80, v10, vm2, $0xb8;
	[tilespmem:$0xD280] =	vst v63  }
0xe8: {  	s9 =	simm.s32 $0x5280  }
0xe9: {  	[hbm4b:s12+s2] =	stream.indirect_vreg.scatter [tilespmem:s9], [sflag:$0x1], $0x80, v10, vm2, $0xb8;
	[tilespmem:$0xD280] =	vst v63  }
0xea: {  	s10 =	simm.s32 $0x5A80  }
0xeb: {  	[hbm4b:s4+s2] =	stream.indirect_vreg.scatter [tilespmem:s10], [sflag:$0x1], $0x80, v9, vm2, $0xb8;
	[tilespmem:$0xD280] =	vst v63  }
0xec: {  	s13 =	simm.s32 $0x6280  }
0xed: {  	[hbm4b:s11+s2] =	stream.indirect_vreg.scatter [tilespmem:s13], [sflag:$0x1], $0x80, v9, vm2, $0xb8;
	[tilespmem:$0xD280] =	vst v63  }
0xee: {  	s16 =	simm.s32 $0x6A80  }
0xef: {  	[hbm4b:s12+s2] =	stream.indirect_vreg.scatter [tilespmem:s16], [sflag:$0x1], $0x80, v9, vm2, $0xb8;
	[tilespmem:$0xD280] =	vst v63  }
0xf0: {  	v9 =	vld [tilespmem:$0x10A0];
	_ =	sdelay $0x4  }
0xf1: {  	v10 =	vshrl.u32 v9, $0x3  }
0xf2: {  	v10 =	vmul.u32 $0x30, v10  }
0xf3: {  	v9 =	vand.u32 $0x7, v9  }
0xf4: {  	v9 =	vor.u32 v9, v10  }
0xf5: {  	v10 =	vperm.xlane v9, v5;
	_ =	sdelay $0x1  }
0xf6: {  	v10 =	vadd.s32 v6, v10;
	_ =	sdelay $0x3  }
0xf7: {  	s17 =	simm.s32 $0x7280;
	v9 =	vperm.xlane v9, v7  }
0xf8: {  	[hbm4b:s4+s2] =	stream.indirect_vreg.scatter [tilespmem:s17], [sflag:$0x1], $0x80, v10, vm2, $0xb8;
	[tilespmem:$0xD280] =	vst v63  }
0xf9: {  	s18 =	simm.s32 $0x7A80;
	v9 =	vadd.s32 v6, v9  }
0xfa: {  	[hbm4b:s11+s2] =	stream.indirect_vreg.scatter [tilespmem:s18], [sflag:$0x1], $0x80, v10, vm2, $0xb8;
	[tilespmem:$0xD280] =	vst v63  }
0xfb: {  	s19 =	simm.s32 $0x8280  }
0xfc: {  	[hbm4b:s12+s2] =	stream.indirect_vreg.scatter [tilespmem:s19], [sflag:$0x1], $0x80, v10, vm2, $0xb8;
	[tilespmem:$0xD280] =	vst v63  }
0xfd: {  	s20 =	simm.s32 $0x8A80  }
0xfe: {  	[hbm4b:s4+s2] =	stream.indirect_vreg.scatter [tilespmem:s20], [sflag:$0x1], $0x80, v9, vm2, $0xb8;
	[tilespmem:$0xD280] =	vst v63  }
0xff: {  	s21 =	simm.s32 $0x9280  }
0x100: {  	[hbm4b:s11+s2] =	stream.indirect_vreg.scatter [tilespmem:s21], [sflag:$0x1], $0x80, v9, vm2, $0xb8;
	[tilespmem:$0xD280] =	vst v63  }
0x101: {  	s24 =	simm.s32 $0x9A80  }
0x102: {  	[hbm4b:s12+s2] =	stream.indirect_vreg.scatter [tilespmem:s24], [sflag:$0x1], $0x80, v9, vm2, $0xb8;
	[tilespmem:$0xD280] =	vst v63  }
0x103: {  	v9 =	vld [tilespmem:$0x10B0];
	_ =	sdelay $0x4  }
0x104: {  	v10 =	vshrl.u32 v9, $0x3  }
0x105: {  	v10 =	vmul.u32 $0x30, v10  }
0x106: {  	v9 =	vand.u32 $0x7, v9  }
0x107: {  	v9 =	vor.u32 v9, v10  }
0x108: {  	v10 =	vperm.xlane v9, v5;
	_ =	sdelay $0x1  }
0x109: {  	v10 =	vadd.s32 v6, v10;
	_ =	sdelay $0x3  }
0x10a: {  	s25 =	simm.s32 $0xA280;
	v9 =	vperm.xlane v9, v7  }
0x10b: {  	[hbm4b:s4+s2] =	stream.indirect_vreg.scatter [tilespmem:s25], [sflag:$0x1], $0x80, v10, vm2, $0xb8;
	[tilespmem:$0xD280] =	vst v63  }
0x10c: {  	s26 =	simm.s32 $0xAA80;
	v9 =	vadd.s32 v6, v9  }
0x10d: {  	[hbm4b:s11+s2] =	stream.indirect_vreg.scatter [tilespmem:s26], [sflag:$0x1], $0x80, v10, vm2, $0xb8;
	[tilespmem:$0xD280] =	vst v63  }
0x10e: {  	s28 =	simm.s32 $0xB280  }
0x10f: {  	[hbm4b:s12+s2] =	stream.indirect_vreg.scatter [tilespmem:s28], [sflag:$0x1], $0x80, v10, vm2, $0xb8;
	[tilespmem:$0xD280] =	vst v63  }
0x110: {  	s29 =	simm.s32 $0xBA80  }
0x111: {  	[hbm4b:s4+s2] =	stream.indirect_vreg.scatter [tilespmem:s29], [sflag:$0x1], $0x80, v9, vm2, $0xb8;
	[tilespmem:$0xD280] =	vst v63  }
0x112: {  	s30 =	simm.s32 $0xC280  }
0x113: {  	[hbm4b:s11+s2] =	stream.indirect_vreg.scatter [tilespmem:s30], [sflag:$0x1], $0x80, v9, vm2, $0xb8;
	[tilespmem:$0xD280] =	vst v63  }
.Ltmp7:
0x114: {  	s31 =	simm.s32 $0xCA80;
	(pc) =	sbr.rel @p0 .LBB2_13-.Ltmp7, $4  }
0x115: {  	[hbm4b:s12+s2] =	stream.indirect_vreg.scatter [tilespmem:s31], [sflag:$0x1], $0x80, v9, vm2, $0xb8;
	[tilespmem:$0xD280] =	vst v63  }
0x116: {  	_ =	swait.ge [sflag:s22], $0xC000  }
0x117: {  	[sflag:s22] =	ssyncset.done $0x0  }
0x118: {  	[sflag:s22] =	ssyncadd.s32 $0xFFFF4000  }
0x119: {  	v10 =	vbroadcast v8, $0x0  }
0x11a: {  	v11 =	vbroadcast v8, $0x1;
	v13 =	vbroadcast v8, $0x2  }
0x11b: {  	v16 =	vbroadcast v8, $0x3;
	v17 =	vbroadcast v8, $0x4  }
0x11c: {  	v18 =	vbroadcast v8, $0x5;
	v19 =	vbroadcast v8, $0x6  }
0x11d: {  	v20 =	vbroadcast v8, $0x7;
	v21 =	vbroadcast v8, $0x8  }
0x11e: {  	v9 =	vmul.u32 $0x100, v0;
	v22 =	vbroadcast v8, $0x9;
	v23 =	vbroadcast v8, $0xA  }
0x11f: {  	(v2sf) =	vpush v8, $0xF;
	v24 =	vbroadcast v8, $0xB;
	v25 =	vbroadcast v8, $0xC  }
0x120: {  	v26 =	vbroadcast v8, $0xD;
	v43 =	vbroadcast v8, $0xE;
	v12 =	vor.u32 $0x1, v9  }
0x121: {  	v8 =	vbroadcast v8, $0xF;
	v9 =	vor.u32 $0x1001, v9;
	vm3 =	vlt.s32 v10, v12  }
0x122: {  	vm4 =	vlt.s32 v11, v12;
	vm9 =	vlt.s32 v11, v9;
	vm10 =	vlt.s32 v13, v9  }
0x123: {  	vm11 =	vlt.s32 v16, v9;
	vm12 =	vlt.s32 v17, v9;
	vm13 =	vlt.s32 v18, v9  }
0x124: {  	vm14 =	vlt.s32 v19, v9;
	v14 =	vsel vm3, $0x1, v4;
	vm3 =	vlt.s32 v13, v12  }
0x125: {  	vm15 =	vlt.s32 v20, v9;
	v33 =	vsel vm3, $0x1, v4;
	vm3 =	vlt.s32 v16, v12  }
0x126: {  	vm8 =	vlt.s32 v21, v9;
	v34 =	vsel vm3, $0x1, v4;
	vm3 =	vlt.s32 v17, v12  }
0x127: {  	v15 =	vsel vm4, $0x1, v4;
	v35 =	vsel vm3, $0x1, v4;
	vm3 =	vlt.s32 v18, v12  }
0x128: {  	v11 =	vsel vm9, $0x1, v4;
	v36 =	vsel vm3, $0x1, v4;
	vm3 =	vlt.s32 v19, v12  }
0x129: {  	v13 =	vsel vm10, $0x1, v4;
	v37 =	vsel vm3, $0x1, v4;
	vm3 =	vlt.s32 v20, v12  }
0x12a: {  	v50 =	vsel vm11, $0x1, v4;
	v38 =	vsel vm3, $0x1, v4;
	vm3 =	vlt.s32 v21, v12  }
0x12b: {  	v51 =	vsel vm12, $0x1, v4;
	v39 =	vsel vm3, $0x1, v4;
	vm3 =	vlt.s32 v22, v12  }
0x12c: {  	v52 =	vsel vm13, $0x1, v4;
	v40 =	vsel vm3, $0x1, v4;
	vm3 =	vlt.s32 v23, v12  }
0x12d: {  	v53 =	vsel vm14, $0x1, v4;
	v41 =	vsel vm3, $0x1, v4;
	vm3 =	vlt.s32 v24, v12  }
0x12e: {  	v54 =	vsel vm15, $0x1, v4;
	v42 =	vsel vm3, $0x1, v4;
	vm3 =	vlt.s32 v25, v12  }
0x12f: {  	v55 =	vsel vm8, $0x1, v4;
	v27 =	vsel vm3, $0x1, v4;
	vm3 =	vlt.s32 v26, v12  }
0x130: {  	vm9 =	vlt.s32 v22, v9;
	v44 =	vsel vm3, $0x1, v4;
	vm3 =	vlt.s32 v43, v12  }
0x131: {  	v14 =	vadd.s32 v15, v14;
	v45 =	vsel vm3, $0x1, v4;
	vm3 =	vlt.s32 v8, v12  }
0x132: {  	v14 =	vadd.s32 v33, v14;
	v47 =	vsel vm3, $0x1, v4;
	vm3 =	vlt.s32 v10, v9  }
0x133: {  	vm10 =	vlt.s32 v23, v9;
	v14 =	vadd.s32 v34, v14;
	v49 =	vsel vm3, $0x1, v4  }
0x134: {  	vm11 =	vlt.s32 v24, v9;
	v14 =	vadd.s32 v35, v14;
	v11 =	vadd.s32 v11, v49  }
0x135: {  	vm12 =	vlt.s32 v25, v9;
	v14 =	vadd.s32 v36, v14;
	v11 =	vadd.s32 v13, v11  }
0x136: {  	vm13 =	vlt.s32 v26, v9;
	v14 =	vadd.s32 v37, v14;
	v11 =	vadd.s32 v50, v11  }
0x137: {  	vm14 =	vlt.s32 v43, v9;
	v14 =	vadd.s32 v38, v14;
	v11 =	vadd.s32 v51, v11  }
0x138: {  	vm15 =	vlt.s32 v8, v9;
	v14 =	vadd.s32 v39, v14;
	s0 =	spop (v2sf);
	v11 =	vadd.s32 v52, v11  }
0x139: {  	v56 =	vsel vm9, $0x1, v4;
	v14 =	vadd.s32 v40, v14;
	s1 =	sand.u32 $0xFF, s0;
	v11 =	vadd.s32 v53, v11  }
0x13a: {  	v57 =	vsel vm10, $0x1, v4;
	v14 =	vadd.s32 v41, v14;
	s24 =	sshra.s32 s0, $0x1F;
	p2 =	slt.s32 s0, $0x1;
	p1 =	sne.s32 s1, $0x0;
	v11 =	vadd.s32 v54, v11  }
0x13b: {  	v58 =	vsel vm11, $0x1, v4;
	v14 =	vadd.s32 v42, v14;
	s1 =	sshrl.u32 s24, $0x18;
	p1 =	por !p2, !p1;
	v11 =	vadd.s32 v55, v11  }
0x13c: {  	v59 =	vsel vm12, $0x1, v4;
	v14 =	vadd.s32 v27, v14;
	s0 =	sadd.s32 s1, s0;
	s1 =	simm.s32 $0x1;
	p1 =	por !p1, !p1;
	v11 =	vadd.s32 v56, v11  }
0x13d: {  	v60 =	vsel vm13, $0x1, v4;
	v14 =	vadd.s32 v44, v14;
	s0 =	sshra.s32 s0, $0x8;
	s1 =	simm.s32 @!p1 $0x0;
	v11 =	vadd.s32 v57, v11  }
0x13e: {  	v61 =	vsel vm14, $0x1, v4;
	v46 =	vadd.s32 v45, v14;
	s0 =	ssub.s32 s0, s1;
	v11 =	vadd.s32 v58, v11  }
0x13f: {  	v12 =	vadd.s32 v47, v46;
	v48 =	vmov s0;
	v11 =	vadd.s32 v59, v11  }
0x140: {  	v12 =	vmin.u32 v12, $0xF;
	vm3 =	vgt.s32 v48, v0;
	v11 =	vadd.s32 v60, v11  }
0x141: {  	v8 =	vsel vm15, $0x1, v4;
	[tilespmem:$0x1100] =	vst v12;
	v62 =	vnsel vm3, $0x0, v0;
	v11 =	vadd.s32 v61, v11  }
0x142: {  	v63 =	vnsel vm3, $0x17, v0;
	[tilespmem:$0x1180] =	vst v62;
	v8 =	vadd.s32 v8, v11  }
0x143: {  	vm3 =	vgt.s32 v48, v2;
	[tilespmem:$0x1200] =	vst v63;
	v8 =	vmin.u32 v8, $0xF  }
0x144: {  	[tilespmem:$0x1110] =	vst v8;
	v8 =	vnsel vm3, $0x0, v2  }
0x145: {  	[tilespmem:$0x1190] =	vst v8;
	v8 =	vnsel vm3, $0x17, v2  }
0x146: {  	s25 =	rddreg [dreg:$0x4];
	s26 =	simm.s32 $0x1100;
	[tilespmem:$0x1210] =	vst v8  }
0x147: {  	[hbm4b:s25+s2] =	stream.linear.scatter [tilespmem:s26], [sflag:$0x2], $0x80, $0x38;
	[tilespmem:$0xD280] =	vst v63  }
0x148: {  	_ =	swait.ge [sflag:s14], $0x80  }
0x149: {  	[sflag:s14] =	ssyncset.done $0x0  }
0x14a: {  	s29 =	simm.s32 $0x1180;
	s28 =	rddreg [dreg:$0x5];
	[sflag:s14] =	ssyncadd.s32 $0xFFFFFF80  }
0x14b: {  	[hbm4b:s28+s2] =	stream.linear.scatter [tilespmem:s29], [sflag:$0x2], $0x80, $0x38;
	[tilespmem:$0xD280] =	vst v63  }
0x14c: {  	_ =	swait.ge [sflag:s14], $0x80  }
0x14d: {  	s31 =	simm.s32 $0x1200;
	[sflag:s14] =	ssyncset.done $0x0  }
.Ltmp8:
0x14e: {  	s30 =	rddreg [dreg:$0x6];
	[sflag:s14] =	ssyncadd.s32 $0xFFFFFF80;
	(pc) =	sbr.rel .LBB2_13-.Ltmp8, $4  }
0x14f: {  	[hbm4b:s30+s2] =	stream.linear.scatter [tilespmem:s31], [sflag:$0x2], $0x80, $0x38;
	[tilespmem:$0xD280] =	vst v63  }
0x150: {  	_ =	swait.ge [sflag:s14], $0x80  }
0x151: {  	[sflag:s14] =	ssyncset.done $0x0  }
0x152: {  	[sflag:s14] =	ssyncadd.s32 $0xFFFFFF80  }
.LBB2_14:
0x153: {  	_ =	sfence.sel $0x180000  }
0x154: {  	[bflag:$0x0] =	sbarrier.arrive $0xFFFF  }
0x155: {  	_ =	strace $0x9000004A  }
0x156: {  	s0 =	stileid.u32;
	[bflag:$0x2] =	sbarrier.arrive $0xFFFF  }
0x157: {  	p0 =	sne.s32 s0, $0x0;
	s0 =	rddreg [dreg:$0x2]  }
0x158: {  	s0 =	sadd.s32 @!p0 $0x100000, s0  }
0x159: {  	[sflag:s0] =	ssyncadd.tile.s32 @!p0 $0x1;
	_ =	shalt  }
.Lfunc_end2:
_tile_overlayer_lowered:
.L_overlay_start_2:
0x15a: {  	(tag) =	ssettag $0x2  }
0x15b: {  	s0 =	rddreg [dreg:$0x0];
	s2 =	stileid.u32  }
0x15c: {  	s1 =	rddreg [dreg:$0x1];
	p0 =	sne.s32 s2, $0x0  }
0x15d: {  	s3 =	rddreg [dreg:$0x2];
	[bflag:$0x3] =	sbarrier.arrive $0xFFFF;
	s2 =	simm.s32 @!p0 $0x1C02  }
0x15e: {  	[timem:s3], [sflag:s2] =	dma.local @!p0 [hbm:s0], s1  }
0x15f: {  	s0 =	simm.s32 @!p0 $0x2  }
0x160: {  	_ =	swait.ge @!p0 [sflag:s0], s1  }
0x161: {  	s1 =	ssub.s32 @!p0 $0x0, s1;
	[sflag:s0] =	ssyncset.done @!p0 $0x0  }
0x162: {  	[sflag:s0] =	ssyncadd.s32 @!p0 s1  }
0x163: {  	[bflag:$0x3] =	sbarrier.arrive $0xFFFF  }
0x164: {  	_ =	shalt  }

</sc_bundles>
